<compile_context>
chip_gen: v7x
topology: tpu7x:2x2x1
jax: 0.10.2.dev20260603
libtpu: 0.0.44.dev20260713+nightly
codegen_flags: <defaults>
</compile_context>

<pallas_src>
import functools

import numpy as np
import jax
import jax.numpy as jnp
from jax import lax
from jax.experimental import pallas as pl
from jax.experimental.pallas import tpu as pltpu
from jax.experimental.pallas import tpu_sc as plsc

_RATIO = 0.75
_NUM_CORES = 2
_NUM_SUBCORES = 16
_NUM_WORKERS = _NUM_CORES * _NUM_SUBCORES
_TILESPMEM_BYTES = 524284

def _rotl(x, d):
    return ((x << np.uint32(d)) | (x >> np.uint32(32 - d))).astype(np.uint32)


def _threefry2x32(k0, k1, x0, x1):
    rot = ((13, 15, 26, 6), (17, 29, 16, 24))
    ks = [np.uint32(k0), np.uint32(k1),
          np.uint32(k0 ^ k1 ^ np.uint32(0x1BD11BDA))]
    x = [x0.astype(np.uint32) + ks[0], x1.astype(np.uint32) + ks[1]]

    def rounds(x, rots):
        for d in rots:
            x[0] = (x[0] + x[1]).astype(np.uint32)
            x[1] = _rotl(x[1], d) ^ x[0]
        return x

    x = rounds(x, rot[0])
    x = [x[0] + ks[1], x[1] + ks[2] + np.uint32(1)]
    x = rounds(x, rot[1])
    x = [x[0] + ks[2], x[1] + ks[0] + np.uint32(2)]
    x = rounds(x, rot[0])
    x = [x[0] + ks[0], x[1] + ks[1] + np.uint32(3)]
    x = rounds(x, rot[1])
    x = [x[0] + ks[1], x[1] + ks[2] + np.uint32(4)]
    x = rounds(x, rot[0])
    return ((x[0] + ks[2]).astype(np.uint32),
            (x[1] + ks[0] + np.uint32(5)).astype(np.uint32))


def _split_keys(k0, k1, num):
    i = np.arange(num, dtype=np.uint32)
    o0, o1 = _threefry2x32(k0, k1, np.zeros(num, np.uint32), i)
    return list(zip(o0, o1))


def _random_bits(k0, k1, n):
    i = np.arange(n, dtype=np.uint32)
    o0, o1 = _threefry2x32(k0, k1, np.zeros(n, np.uint32), i)
    return o0 ^ o1


_idx_cache = {}


def _perm_indexes(B, N):
    key = (B, N)
    if key not in _idx_cache:
        fwd = np.empty((B, N), dtype=np.int32)
        for b, (k0, k1) in enumerate(_split_keys(np.uint32(0), np.uint32(42), B)):
            _, sub = _split_keys(k0, k1, 2)
            fwd[b] = np.argsort(_random_bits(sub[0], sub[1], N),
                                kind="stable").astype(np.int32)
        bwd = np.argsort(fwd, axis=1, kind="stable").astype(np.int32)
        _idx_cache[key] = (fwd, bwd)
    return _idx_cache[key]


def _pick_chunk(rows_per_worker, dim, nbuf):
    limit = min(128, (_TILESPMEM_BYTES - 8192) // (nbuf * dim * 4))
    best = 8
    for c in range(8, limit + 1, 8):
        if rows_per_worker % c == 0:
            best = c
    return best


@functools.lru_cache(maxsize=None)
def _gather_call(rows_pad, dim, chunk, nch, nbuf):
    rpw = nch * chunk
    mesh = plsc.VectorSubcoreMesh(
        core_axis_name="c", subcore_axis_name="s",
        num_cores=_NUM_CORES, num_subcores=_NUM_SUBCORES)

    @functools.partial(
        pl.kernel,
        out_type=jax.ShapeDtypeStruct((rows_pad, dim), jnp.float32),
        mesh=mesh,
        scratch_types=[
            pltpu.VMEM((rpw,), jnp.int32),
            [pltpu.VMEM((chunk, dim), jnp.float32) for _ in range(nbuf)],
            [pltpu.SemaphoreType.DMA for _ in range(nbuf)],
            [pltpu.SemaphoreType.DMA for _ in range(nbuf)],
        ],
    )
    def body(table_hbm, idx_hbm, out_hbm, idx_v, bufs, gsems, wsems):
        wid = lax.axis_index("s") * _NUM_CORES + lax.axis_index("c")
        c0 = wid * nch
        pltpu.sync_copy(idx_hbm.at[pl.ds(wid * rpw, rpw)], idx_v)
        gcp = [None] * nbuf
        wcp = [None] * nbuf
        depth = min(nbuf - 1, nch)
        for c in range(depth):
            gcp[c % nbuf] = pltpu.async_copy(
                table_hbm.at[idx_v.at[pl.ds(c * chunk, chunk)]],
                bufs[c % nbuf], gsems[c % nbuf])
        for c in range(nch):
            i = c % nbuf
            j = c + depth
            if j < nch:
                k = j % nbuf
                if wcp[k] is not None:
                    wcp[k].wait()
                gcp[k] = pltpu.async_copy(
                    table_hbm.at[idx_v.at[pl.ds(j * chunk, chunk)]],
                    bufs[k], gsems[k])
            gcp[i].wait()
            wcp[i] = pltpu.async_copy(
                bufs[i], out_hbm.at[pl.ds((c0 + c) * chunk, chunk)], wsems[i])
        for i in range(min(nbuf, nch)):
            if wcp[i] is not None:
                wcp[i].wait()

    return body


def kernel(patches):
    B, N, dim = patches.shape
    remain_N = int(N * (1 - _RATIO))
    fwd, bwd = _perm_indexes(B, N)

    rows = B * remain_N
    flat_idx = (fwd[:, :remain_N]
                + (np.arange(B, dtype=np.int32) * N)[:, None]).reshape(-1)
    rows_pad = -(-rows // (_NUM_WORKERS * 8)) * (_NUM_WORKERS * 8)
    if rows_pad != rows:
        flat_idx = np.concatenate(
            [flat_idx, np.zeros(rows_pad - rows, dtype=np.int32)])
    rpw = rows_pad // _NUM_WORKERS
    nbuf = 6
    chunk = _pick_chunk(rpw, dim, nbuf)
    nch = rpw // chunk

    table = patches.reshape(B * N, dim)
    idx1d = jnp.asarray(flat_idx)
    out = _gather_call(rows_pad, dim, chunk, nch, nbuf)(table, idx1d)
    out = out[:rows].reshape(B, remain_N, dim)
    return (out, jnp.asarray(fwd), jnp.asarray(bwd))

# --- scband reference (transcript-rebuilt; emitter-appended) ---
"""Pipeline reference for scband-patch-shuffle-214748365462 (READ-ONLY COPY).

The authoritative reference and input builder live on the scoring server;
editing this copy changes nothing except your own understanding.
"""

import jax, jax.numpy as jnp
import numpy as np

RATIO = 0.75

def setup_inputs(seed: int = 0) -> dict:
    key = jax.random.key(seed)
    patches = jax.random.normal(key, (64, 576, 768), dtype=jnp.float32)
    return {"patches": patches}

def reference(patches):
    B, N, dim = patches.shape
    remain_N = int(N * (1 - RATIO))
    # per-sample random permutations (faithful to random_indexes per batch element)
    pkey = jax.random.key(42)
    keys = jax.random.split(pkey, B)
    forward_indexes = jnp.stack([jax.random.permutation(k, N) for k in keys], axis=0).astype(jnp.int64)  # [B, N]
    backward_indexes = jnp.argsort(forward_indexes, axis=1)  # [B, N]
    # take_indexes: gather along sequence dim, broadcast index over feature dim
    shuffled = jnp.take_along_axis(patches, forward_indexes[:, :, None], axis=1)  # [B, N, dim]
    out = shuffled[:, :remain_N, :]
    return (out, forward_indexes, backward_indexes)

if __name__ == "__main__":
    import jax
    _d = setup_inputs()
    print(jax.jit(kernel)(*tuple(_d.values())))

</pallas_src>

<mosaic_0001>
#map = affine_map<(d0, d1) -> (0, 0)>
#map1 = affine_map<(d0, d1) -> (0)>
module attributes {stable_mosaic.version = 14 : i64} {
  func.func @body(%arg0: i32, %arg1: i32, %arg2: memref<36864x768xf32, #tpu.memory_space<hbm>>, %arg3: memref<9216xi32, #tpu.memory_space<hbm>>, %arg4: memref<9216x768xf32, #tpu.memory_space<hbm>>, %arg5: memref<288xi32, #tpu.memory_space<vmem>>, %arg6: memref<24x768xf32, #tpu.memory_space<vmem>>, %arg7: memref<24x768xf32, #tpu.memory_space<vmem>>, %arg8: memref<24x768xf32, #tpu.memory_space<vmem>>, %arg9: memref<24x768xf32, #tpu.memory_space<vmem>>, %arg10: memref<24x768xf32, #tpu.memory_space<vmem>>, %arg11: memref<24x768xf32, #tpu.memory_space<vmem>>, %arg12: memref<!tpu.dma_semaphore, #tpu.memory_space<semaphore_mem>>, %arg13: memref<!tpu.dma_semaphore, #tpu.memory_space<semaphore_mem>>, %arg14: memref<!tpu.dma_semaphore, #tpu.memory_space<semaphore_mem>>, %arg15: memref<!tpu.dma_semaphore, #tpu.memory_space<semaphore_mem>>, %arg16: memref<!tpu.dma_semaphore, #tpu.memory_space<semaphore_mem>>, %arg17: memref<!tpu.dma_semaphore, #tpu.memory_space<semaphore_mem>>, %arg18: memref<!tpu.dma_semaphore, #tpu.memory_space<semaphore_mem>>, %arg19: memref<!tpu.dma_semaphore, #tpu.memory_space<semaphore_mem>>, %arg20: memref<!tpu.dma_semaphore, #tpu.memory_space<semaphore_mem>>, %arg21: memref<!tpu.dma_semaphore, #tpu.memory_space<semaphore_mem>>, %arg22: memref<!tpu.dma_semaphore, #tpu.memory_space<semaphore_mem>>, %arg23: memref<!tpu.dma_semaphore, #tpu.memory_space<semaphore_mem>>) attributes {dimension_semantics = [#tpu.dimension_semantics<core_parallel>, #tpu.dimension_semantics<subcore_parallel>], iteration_bounds = array<i64: 2, 16>, scalar_prefetch = 0 : i64, scratch_operands = 19 : i64, tpu.core_type = #tpu.core_type<sc_vector_subcore>, window_params = [{transform_indices = #map}, {transform_indices = #map1}, {transform_indices = #map}]} {
    %mul3A = arith.constant 2 : i32
    %mul3A_0 = arith.muli %arg1, %mul3A : i32
    %add3A = arith.addi %mul3A_0, %arg0 : i32
    %mul3A_1 = arith.constant 12 : i32
    %mul3A_2 = arith.muli %add3A, %mul3A_1 : i32
    %mul3A_3 = arith.constant 288 : i32
    %mul3A_4 = arith.muli %add3A, %mul3A_3 : i32
    "tpu.region"() ({
      %run_scoped3A = tpu.sem_alloc : memref<!tpu.dma_semaphore, #tpu.memory_space<semaphore_mem>>
      %dma_start3A_267 = tpu.memref_slice %arg3[%mul3A_4] : memref<9216xi32, #tpu.memory_space<hbm>> -> memref<288xi32, #tpu.memory_space<hbm>>
      %dma_start3A_268 = tpu.memref_slice %arg3[%mul3A_4] : memref<9216xi32, #tpu.memory_space<hbm>> -> memref<288xi32, #tpu.memory_space<hbm>>
      tpu.enqueue_dma source(%dma_start3A_268 : memref<288xi32, #tpu.memory_space<hbm>>) target(%arg5 : memref<288xi32, #tpu.memory_space<vmem>>) target_semaphore(%run_scoped3A : memref<!tpu.dma_semaphore, #tpu.memory_space<semaphore_mem>>)
      %dma_wait3A_269 = tpu.memref_slice %arg3[%mul3A_4] : memref<9216xi32, #tpu.memory_space<hbm>> -> memref<288xi32, #tpu.memory_space<hbm>>
      %dma_wait3A_270 = tpu.memref_slice %arg3[%mul3A_4] : memref<9216xi32, #tpu.memory_space<hbm>> -> memref<288xi32, #tpu.memory_space<hbm>>
      tpu.wait_dma2 semaphore(%run_scoped3A : memref<!tpu.dma_semaphore, #tpu.memory_space<semaphore_mem>>) src(%dma_wait3A_270 : memref<288xi32, #tpu.memory_space<hbm>>) dst(%arg5 : memref<288xi32, #tpu.memory_space<vmem>>)
      tpu.yield
    }) : () -> ()
    %dma_start3A = arith.constant 0 : i32
    %dma_start3A_5 = tpu.memref_slice %arg5[%dma_start3A] : memref<288xi32, #tpu.memory_space<vmem>> -> memref<24xi32, #tpu.memory_space<vmem>>
    %dma_start3A_6 = arith.constant 0 : i32
    %dma_start3A_7 = arith.constant 0 : i32
    %dma_start3A_8 = tpu.memref_slice %arg2[%dma_start3A_6, %dma_start3A_7] : memref<36864x768xf32, #tpu.memory_space<hbm>> -> memref<36864x768xf32, #tpu.memory_space<hbm>>
    tpu.enqueue_indirect_dma source(%dma_start3A_8 : memref<36864x768xf32, #tpu.memory_space<hbm>>) target(%arg6 : memref<24x768xf32, #tpu.memory_space<vmem>>) offsets(%dma_start3A_5 : memref<24xi32, #tpu.memory_space<vmem>>) semaphore(%arg12 : memref<!tpu.dma_semaphore, #tpu.memory_space<semaphore_mem>>)
    %dma_start3A_9 = arith.constant 24 : i32
    %dma_start3A_10 = tpu.memref_slice %arg5[%dma_start3A_9] : memref<288xi32, #tpu.memory_space<vmem>> -> memref<24xi32, #tpu.memory_space<vmem>>
    %dma_start3A_11 = arith.constant 0 : i32
    %dma_start3A_12 = arith.constant 0 : i32
    %dma_start3A_13 = tpu.memref_slice %arg2[%dma_start3A_11, %dma_start3A_12] : memref<36864x768xf32, #tpu.memory_space<hbm>> -> memref<36864x768xf32, #tpu.memory_space<hbm>>
    tpu.enqueue_indirect_dma source(%dma_start3A_13 : memref<36864x768xf32, #tpu.memory_space<hbm>>) target(%arg7 : memref<24x768xf32, #tpu.memory_space<vmem>>) offsets(%dma_start3A_10 : memref<24xi32, #tpu.memory_space<vmem>>) semaphore(%arg13 : memref<!tpu.dma_semaphore, #tpu.memory_space<semaphore_mem>>)
    %dma_start3A_14 = arith.constant 48 : i32
    %dma_start3A_15 = tpu.memref_slice %arg5[%dma_start3A_14] : memref<288xi32, #tpu.memory_space<vmem>> -> memref<24xi32, #tpu.memory_space<vmem>>
    %dma_start3A_16 = arith.constant 0 : i32
    %dma_start3A_17 = arith.constant 0 : i32
    %dma_start3A_18 = tpu.memref_slice %arg2[%dma_start3A_16, %dma_start3A_17] : memref<36864x768xf32, #tpu.memory_space<hbm>> -> memref<36864x768xf32, #tpu.memory_space<hbm>>
    tpu.enqueue_indirect_dma source(%dma_start3A_18 : memref<36864x768xf32, #tpu.memory_space<hbm>>) target(%arg8 : memref<24x768xf32, #tpu.memory_space<vmem>>) offsets(%dma_start3A_15 : memref<24xi32, #tpu.memory_space<vmem>>) semaphore(%arg14 : memref<!tpu.dma_semaphore, #tpu.memory_space<semaphore_mem>>)
    %dma_start3A_19 = arith.constant 72 : i32
    %dma_start3A_20 = tpu.memref_slice %arg5[%dma_start3A_19] : memref<288xi32, #tpu.memory_space<vmem>> -> memref<24xi32, #tpu.memory_space<vmem>>
    %dma_start3A_21 = arith.constant 0 : i32
    %dma_start3A_22 = arith.constant 0 : i32
    %dma_start3A_23 = tpu.memref_slice %arg2[%dma_start3A_21, %dma_start3A_22] : memref<36864x768xf32, #tpu.memory_space<hbm>> -> memref<36864x768xf32, #tpu.memory_space<hbm>>
    tpu.enqueue_indirect_dma source(%dma_start3A_23 : memref<36864x768xf32, #tpu.memory_space<hbm>>) target(%arg9 : memref<24x768xf32, #tpu.memory_space<vmem>>) offsets(%dma_start3A_20 : memref<24xi32, #tpu.memory_space<vmem>>) semaphore(%arg15 : memref<!tpu.dma_semaphore, #tpu.memory_space<semaphore_mem>>)
    %dma_start3A_24 = arith.constant 96 : i32
    %dma_start3A_25 = tpu.memref_slice %arg5[%dma_start3A_24] : memref<288xi32, #tpu.memory_space<vmem>> -> memref<24xi32, #tpu.memory_space<vmem>>
    %dma_start3A_26 = arith.constant 0 : i32
    %dma_start3A_27 = arith.constant 0 : i32
    %dma_start3A_28 = tpu.memref_slice %arg2[%dma_start3A_26, %dma_start3A_27] : memref<36864x768xf32, #tpu.memory_space<hbm>> -> memref<36864x768xf32, #tpu.memory_space<hbm>>
    tpu.enqueue_indirect_dma source(%dma_start3A_28 : memref<36864x768xf32, #tpu.memory_space<hbm>>) target(%arg10 : memref<24x768xf32, #tpu.memory_space<vmem>>) offsets(%dma_start3A_25 : memref<24xi32, #tpu.memory_space<vmem>>) semaphore(%arg16 : memref<!tpu.dma_semaphore, #tpu.memory_space<semaphore_mem>>)
    %dma_start3A_29 = arith.constant 120 : i32
    %dma_start3A_30 = tpu.memref_slice %arg5[%dma_start3A_29] : memref<288xi32, #tpu.memory_space<vmem>> -> memref<24xi32, #tpu.memory_space<vmem>>
    %dma_start3A_31 = arith.constant 0 : i32
    %dma_start3A_32 = arith.constant 0 : i32
    %dma_start3A_33 = tpu.memref_slice %arg2[%dma_start3A_31, %dma_start3A_32] : memref<36864x768xf32, #tpu.memory_space<hbm>> -> memref<36864x768xf32, #tpu.memory_space<hbm>>
    tpu.enqueue_indirect_dma source(%dma_start3A_33 : memref<36864x768xf32, #tpu.memory_space<hbm>>) target(%arg11 : memref<24x768xf32, #tpu.memory_space<vmem>>) offsets(%dma_start3A_30 : memref<24xi32, #tpu.memory_space<vmem>>) semaphore(%arg17 : memref<!tpu.dma_semaphore, #tpu.memory_space<semaphore_mem>>)
    %dma_wait3A = arith.constant 0 : i32
    %dma_wait3A_34 = tpu.memref_slice %arg5[%dma_wait3A] : memref<288xi32, #tpu.memory_space<vmem>> -> memref<24xi32, #tpu.memory_space<vmem>>
    %dma_wait3A_35 = arith.constant 0 : i32
    %dma_wait3A_36 = arith.constant 0 : i32
    %dma_wait3A_37 = tpu.memref_slice %arg2[%dma_wait3A_35, %dma_wait3A_36] : memref<36864x768xf32, #tpu.memory_space<hbm>> -> memref<36864x768xf32, #tpu.memory_space<hbm>>
    tpu.wait_indirect_dma semaphore(%arg12 : memref<!tpu.dma_semaphore, #tpu.memory_space<semaphore_mem>>) src(%dma_wait3A_37 : memref<36864x768xf32, #tpu.memory_space<hbm>>) dst(%arg6 : memref<24x768xf32, #tpu.memory_space<vmem>>)
    %add3A_38 = arith.constant 0 : i32
    %add3A_39 = arith.addi %mul3A_2, %add3A_38 : i32
    %mul3A_40 = arith.constant 24 : i32
    %mul3A_41 = arith.muli %add3A_39, %mul3A_40 : i32
    %dma_start3A_42 = arith.constant 0 : i32
    %dma_start3A_43 = tpu.memref_slice %arg4[%mul3A_41, %dma_start3A_42] : memref<9216x768xf32, #tpu.memory_space<hbm>> -> memref<24x768xf32, #tpu.memory_space<hbm>>
    %dma_start3A_44 = arith.constant 0 : i32
    %dma_start3A_45 = tpu.memref_slice %arg4[%mul3A_41, %dma_start3A_44] : memref<9216x768xf32, #tpu.memory_space<hbm>> -> memref<24x768xf32, #tpu.memory_space<hbm>>
    tpu.enqueue_dma source(%arg6 : memref<24x768xf32, #tpu.memory_space<vmem>>) target(%dma_start3A_45 : memref<24x768xf32, #tpu.memory_space<hbm>>) target_semaphore(%arg18 : memref<!tpu.dma_semaphore, #tpu.memory_space<semaphore_mem>>)
    %dma_wait3A_46 = arith.constant 0 : i32
    %dma_wait3A_47 = tpu.memref_slice %arg4[%mul3A_41, %dma_wait3A_46] : memref<9216x768xf32, #tpu.memory_space<hbm>> -> memref<24x768xf32, #tpu.memory_space<hbm>>
    %dma_wait3A_48 = arith.constant 0 : i32
    %dma_wait3A_49 = tpu.memref_slice %arg4[%mul3A_41, %dma_wait3A_48] : memref<9216x768xf32, #tpu.memory_space<hbm>> -> memref<24x768xf32, #tpu.memory_space<hbm>>
    tpu.wait_dma2 semaphore(%arg18 : memref<!tpu.dma_semaphore, #tpu.memory_space<semaphore_mem>>) src(%arg6 : memref<24x768xf32, #tpu.memory_space<vmem>>) dst(%dma_wait3A_49 : memref<24x768xf32, #tpu.memory_space<hbm>>)
    %dma_start3A_50 = arith.constant 144 : i32
    %dma_start3A_51 = tpu.memref_slice %arg5[%dma_start3A_50] : memref<288xi32, #tpu.memory_space<vmem>> -> memref<24xi32, #tpu.memory_space<vmem>>
    %dma_start3A_52 = arith.constant 0 : i32
    %dma_start3A_53 = arith.constant 0 : i32
    %dma_start3A_54 = tpu.memref_slice %arg2[%dma_start3A_52, %dma_start3A_53] : memref<36864x768xf32, #tpu.memory_space<hbm>> -> memref<36864x768xf32, #tpu.memory_space<hbm>>
    tpu.enqueue_indirect_dma source(%dma_start3A_54 : memref<36864x768xf32, #tpu.memory_space<hbm>>) target(%arg6 : memref<24x768xf32, #tpu.memory_space<vmem>>) offsets(%dma_start3A_51 : memref<24xi32, #tpu.memory_space<vmem>>) semaphore(%arg12 : memref<!tpu.dma_semaphore, #tpu.memory_space<semaphore_mem>>)
    %dma_wait3A_55 = arith.constant 24 : i32
    %dma_wait3A_56 = tpu.memref_slice %arg5[%dma_wait3A_55] : memref<288xi32, #tpu.memory_space<vmem>> -> memref<24xi32, #tpu.memory_space<vmem>>
    %dma_wait3A_57 = arith.constant 0 : i32
    %dma_wait3A_58 = arith.constant 0 : i32
    %dma_wait3A_59 = tpu.memref_slice %arg2[%dma_wait3A_57, %dma_wait3A_58] : memref<36864x768xf32, #tpu.memory_space<hbm>> -> memref<36864x768xf32, #tpu.memory_space<hbm>>
    tpu.wait_indirect_dma semaphore(%arg13 : memref<!tpu.dma_semaphore, #tpu.memory_space<semaphore_mem>>) src(%dma_wait3A_59 : memref<36864x768xf32, #tpu.memory_space<hbm>>) dst(%arg7 : memref<24x768xf32, #tpu.memory_space<vmem>>)
    %add3A_60 = arith.constant 1 : i32
    %add3A_61 = arith.addi %mul3A_2, %add3A_60 : i32
    %mul3A_62 = arith.constant 24 : i32
    %mul3A_63 = arith.muli %add3A_61, %mul3A_62 : i32
    %dma_start3A_64 = arith.constant 0 : i32
    %dma_start3A_65 = tpu.memref_slice %arg4[%mul3A_63, %dma_start3A_64] : memref<9216x768xf32, #tpu.memory_space<hbm>> -> memref<24x768xf32, #tpu.memory_space<hbm>>
    %dma_start3A_66 = arith.constant 0 : i32
    %dma_start3A_67 = tpu.memref_slice %arg4[%mul3A_63, %dma_start3A_66] : memref<9216x768xf32, #tpu.memory_space<hbm>> -> memref<24x768xf32, #tpu.memory_space<hbm>>
    tpu.enqueue_dma source(%arg7 : memref<24x768xf32, #tpu.memory_space<vmem>>) target(%dma_start3A_67 : memref<24x768xf32, #tpu.memory_space<hbm>>) target_semaphore(%arg19 : memref<!tpu.dma_semaphore, #tpu.memory_space<semaphore_mem>>)
    %dma_wait3A_68 = arith.constant 0 : i32
    %dma_wait3A_69 = tpu.memref_slice %arg4[%mul3A_63, %dma_wait3A_68] : memref<9216x768xf32, #tpu.memory_space<hbm>> -> memref<24x768xf32, #tpu.memory_space<hbm>>
    %dma_wait3A_70 = arith.constant 0 : i32
    %dma_wait3A_71 = tpu.memref_slice %arg4[%mul3A_63, %dma_wait3A_70] : memref<9216x768xf32, #tpu.memory_space<hbm>> -> memref<24x768xf32, #tpu.memory_space<hbm>>
    tpu.wait_dma2 semaphore(%arg19 : memref<!tpu.dma_semaphore, #tpu.memory_space<semaphore_mem>>) src(%arg7 : memref<24x768xf32, #tpu.memory_space<vmem>>) dst(%dma_wait3A_71 : memref<24x768xf32, #tpu.memory_space<hbm>>)
    %dma_start3A_72 = arith.constant 168 : i32
    %dma_start3A_73 = tpu.memref_slice %arg5[%dma_start3A_72] : memref<288xi32, #tpu.memory_space<vmem>> -> memref<24xi32, #tpu.memory_space<vmem>>
    %dma_start3A_74 = arith.constant 0 : i32
    %dma_start3A_75 = arith.constant 0 : i32
    %dma_start3A_76 = tpu.memref_slice %arg2[%dma_start3A_74, %dma_start3A_75] : memref<36864x768xf32, #tpu.memory_space<hbm>> -> memref<36864x768xf32, #tpu.memory_space<hbm>>
    tpu.enqueue_indirect_dma source(%dma_start3A_76 : memref<36864x768xf32, #tpu.memory_space<hbm>>) target(%arg7 : memref<24x768xf32, #tpu.memory_space<vmem>>) offsets(%dma_start3A_73 : memref<24xi32, #tpu.memory_space<vmem>>) semaphore(%arg13 : memref<!tpu.dma_semaphore, #tpu.memory_space<semaphore_mem>>)
    %dma_wait3A_77 = arith.constant 48 : i32
    %dma_wait3A_78 = tpu.memref_slice %arg5[%dma_wait3A_77] : memref<288xi32, #tpu.memory_space<vmem>> -> memref<24xi32, #tpu.memory_space<vmem>>
    %dma_wait3A_79 = arith.constant 0 : i32
    %dma_wait3A_80 = arith.constant 0 : i32
    %dma_wait3A_81 = tpu.memref_slice %arg2[%dma_wait3A_79, %dma_wait3A_80] : memref<36864x768xf32, #tpu.memory_space<hbm>> -> memref<36864x768xf32, #tpu.memory_space<hbm>>
    tpu.wait_indirect_dma semaphore(%arg14 : memref<!tpu.dma_semaphore, #tpu.memory_space<semaphore_mem>>) src(%dma_wait3A_81 : memref<36864x768xf32, #tpu.memory_space<hbm>>) dst(%arg8 : memref<24x768xf32, #tpu.memory_space<vmem>>)
    %add3A_82 = arith.constant 2 : i32
    %add3A_83 = arith.addi %mul3A_2, %add3A_82 : i32
    %mul3A_84 = arith.constant 24 : i32
    %mul3A_85 = arith.muli %add3A_83, %mul3A_84 : i32
    %dma_start3A_86 = arith.constant 0 : i32
    %dma_start3A_87 = tpu.memref_slice %arg4[%mul3A_85, %dma_start3A_86] : memref<9216x768xf32, #tpu.memory_space<hbm>> -> memref<24x768xf32, #tpu.memory_space<hbm>>
    %dma_start3A_88 = arith.constant 0 : i32
    %dma_start3A_89 = tpu.memref_slice %arg4[%mul3A_85, %dma_start3A_88] : memref<9216x768xf32, #tpu.memory_space<hbm>> -> memref<24x768xf32, #tpu.memory_space<hbm>>
    tpu.enqueue_dma source(%arg8 : memref<24x768xf32, #tpu.memory_space<vmem>>) target(%dma_start3A_89 : memref<24x768xf32, #tpu.memory_space<hbm>>) target_semaphore(%arg20 : memref<!tpu.dma_semaphore, #tpu.memory_space<semaphore_mem>>)
    %dma_wait3A_90 = arith.constant 0 : i32
    %dma_wait3A_91 = tpu.memref_slice %arg4[%mul3A_85, %dma_wait3A_90] : memref<9216x768xf32, #tpu.memory_space<hbm>> -> memref<24x768xf32, #tpu.memory_space<hbm>>
    %dma_wait3A_92 = arith.constant 0 : i32
    %dma_wait3A_93 = tpu.memref_slice %arg4[%mul3A_85, %dma_wait3A_92] : memref<9216x768xf32, #tpu.memory_space<hbm>> -> memref<24x768xf32, #tpu.memory_space<hbm>>
    tpu.wait_dma2 semaphore(%arg20 : memref<!tpu.dma_semaphore, #tpu.memory_space<semaphore_mem>>) src(%arg8 : memref<24x768xf32, #tpu.memory_space<vmem>>) dst(%dma_wait3A_93 : memref<24x768xf32, #tpu.memory_space<hbm>>)
    %dma_start3A_94 = arith.constant 192 : i32
    %dma_start3A_95 = tpu.memref_slice %arg5[%dma_start3A_94] : memref<288xi32, #tpu.memory_space<vmem>> -> memref<24xi32, #tpu.memory_space<vmem>>
    %dma_start3A_96 = arith.constant 0 : i32
    %dma_start3A_97 = arith.constant 0 : i32
    %dma_start3A_98 = tpu.memref_slice %arg2[%dma_start3A_96, %dma_start3A_97] : memref<36864x768xf32, #tpu.memory_space<hbm>> -> memref<36864x768xf32, #tpu.memory_space<hbm>>
    tpu.enqueue_indirect_dma source(%dma_start3A_98 : memref<36864x768xf32, #tpu.memory_space<hbm>>) target(%arg8 : memref<24x768xf32, #tpu.memory_space<vmem>>) offsets(%dma_start3A_95 : memref<24xi32, #tpu.memory_space<vmem>>) semaphore(%arg14 : memref<!tpu.dma_semaphore, #tpu.memory_space<semaphore_mem>>)
    %dma_wait3A_99 = arith.constant 72 : i32
    %dma_wait3A_100 = tpu.memref_slice %arg5[%dma_wait3A_99] : memref<288xi32, #tpu.memory_space<vmem>> -> memref<24xi32, #tpu.memory_space<vmem>>
    %dma_wait3A_101 = arith.constant 0 : i32
    %dma_wait3A_102 = arith.constant 0 : i32
    %dma_wait3A_103 = tpu.memref_slice %arg2[%dma_wait3A_101, %dma_wait3A_102] : memref<36864x768xf32, #tpu.memory_space<hbm>> -> memref<36864x768xf32, #tpu.memory_space<hbm>>
    tpu.wait_indirect_dma semaphore(%arg15 : memref<!tpu.dma_semaphore, #tpu.memory_space<semaphore_mem>>) src(%dma_wait3A_103 : memref<36864x768xf32, #tpu.memory_space<hbm>>) dst(%arg9 : memref<24x768xf32, #tpu.memory_space<vmem>>)
    %add3A_104 = arith.constant 3 : i32
    %add3A_105 = arith.addi %mul3A_2, %add3A_104 : i32
    %mul3A_106 = arith.constant 24 : i32
    %mul3A_107 = arith.muli %add3A_105, %mul3A_106 : i32
    %dma_start3A_108 = arith.constant 0 : i32
    %dma_start3A_109 = tpu.memref_slice %arg4[%mul3A_107, %dma_start3A_108] : memref<9216x768xf32, #tpu.memory_space<hbm>> -> memref<24x768xf32, #tpu.memory_space<hbm>>
    %dma_start3A_110 = arith.constant 0 : i32
    %dma_start3A_111 = tpu.memref_slice %arg4[%mul3A_107, %dma_start3A_110] : memref<9216x768xf32, #tpu.memory_space<hbm>> -> memref<24x768xf32, #tpu.memory_space<hbm>>
    tpu.enqueue_dma source(%arg9 : memref<24x768xf32, #tpu.memory_space<vmem>>) target(%dma_start3A_111 : memref<24x768xf32, #tpu.memory_space<hbm>>) target_semaphore(%arg21 : memref<!tpu.dma_semaphore, #tpu.memory_space<semaphore_mem>>)
    %dma_wait3A_112 = arith.constant 0 : i32
    %dma_wait3A_113 = tpu.memref_slice %arg4[%mul3A_107, %dma_wait3A_112] : memref<9216x768xf32, #tpu.memory_space<hbm>> -> memref<24x768xf32, #tpu.memory_space<hbm>>
    %dma_wait3A_114 = arith.constant 0 : i32
    %dma_wait3A_115 = tpu.memref_slice %arg4[%mul3A_107, %dma_wait3A_114] : memref<9216x768xf32, #tpu.memory_space<hbm>> -> memref<24x768xf32, #tpu.memory_space<hbm>>
    tpu.wait_dma2 semaphore(%arg21 : memref<!tpu.dma_semaphore, #tpu.memory_space<semaphore_mem>>) src(%arg9 : memref<24x768xf32, #tpu.memory_space<vmem>>) dst(%dma_wait3A_115 : memref<24x768xf32, #tpu.memory_space<hbm>>)
    %dma_start3A_116 = arith.constant 216 : i32
    %dma_start3A_117 = tpu.memref_slice %arg5[%dma_start3A_116] : memref<288xi32, #tpu.memory_space<vmem>> -> memref<24xi32, #tpu.memory_space<vmem>>
    %dma_start3A_118 = arith.constant 0 : i32
    %dma_start3A_119 = arith.constant 0 : i32
    %dma_start3A_120 = tpu.memref_slice %arg2[%dma_start3A_118, %dma_start3A_119] : memref<36864x768xf32, #tpu.memory_space<hbm>> -> memref<36864x768xf32, #tpu.memory_space<hbm>>
    tpu.enqueue_indirect_dma source(%dma_start3A_120 : memref<36864x768xf32, #tpu.memory_space<hbm>>) target(%arg9 : memref<24x768xf32, #tpu.memory_space<vmem>>) offsets(%dma_start3A_117 : memref<24xi32, #tpu.memory_space<vmem>>) semaphore(%arg15 : memref<!tpu.dma_semaphore, #tpu.memory_space<semaphore_mem>>)
    %dma_wait3A_121 = arith.constant 96 : i32
    %dma_wait3A_122 = tpu.memref_slice %arg5[%dma_wait3A_121] : memref<288xi32, #tpu.memory_space<vmem>> -> memref<24xi32, #tpu.memory_space<vmem>>
    %dma_wait3A_123 = arith.constant 0 : i32
    %dma_wait3A_124 = arith.constant 0 : i32
    %dma_wait3A_125 = tpu.memref_slice %arg2[%dma_wait3A_123, %dma_wait3A_124] : memref<36864x768xf32, #tpu.memory_space<hbm>> -> memref<36864x768xf32, #tpu.memory_space<hbm>>
    tpu.wait_indirect_dma semaphore(%arg16 : memref<!tpu.dma_semaphore, #tpu.memory_space<semaphore_mem>>) src(%dma_wait3A_125 : memref<36864x768xf32, #tpu.memory_space<hbm>>) dst(%arg10 : memref<24x768xf32, #tpu.memory_space<vmem>>)
    %add3A_126 = arith.constant 4 : i32
    %add3A_127 = arith.addi %mul3A_2, %add3A_126 : i32
    %mul3A_128 = arith.constant 24 : i32
    %mul3A_129 = arith.muli %add3A_127, %mul3A_128 : i32
    %dma_start3A_130 = arith.constant 0 : i32
    %dma_start3A_131 = tpu.memref_slice %arg4[%mul3A_129, %dma_start3A_130] : memref<9216x768xf32, #tpu.memory_space<hbm>> -> memref<24x768xf32, #tpu.memory_space<hbm>>
    %dma_start3A_132 = arith.constant 0 : i32
    %dma_start3A_133 = tpu.memref_slice %arg4[%mul3A_129, %dma_start3A_132] : memref<9216x768xf32, #tpu.memory_space<hbm>> -> memref<24x768xf32, #tpu.memory_space<hbm>>
    tpu.enqueue_dma source(%arg10 : memref<24x768xf32, #tpu.memory_space<vmem>>) target(%dma_start3A_133 : memref<24x768xf32, #tpu.memory_space<hbm>>) target_semaphore(%arg22 : memref<!tpu.dma_semaphore, #tpu.memory_space<semaphore_mem>>)
    %dma_wait3A_134 = arith.constant 0 : i32
    %dma_wait3A_135 = tpu.memref_slice %arg4[%mul3A_129, %dma_wait3A_134] : memref<9216x768xf32, #tpu.memory_space<hbm>> -> memref<24x768xf32, #tpu.memory_space<hbm>>
    %dma_wait3A_136 = arith.constant 0 : i32
    %dma_wait3A_137 = tpu.memref_slice %arg4[%mul3A_129, %dma_wait3A_136] : memref<9216x768xf32, #tpu.memory_space<hbm>> -> memref<24x768xf32, #tpu.memory_space<hbm>>
    tpu.wait_dma2 semaphore(%arg22 : memref<!tpu.dma_semaphore, #tpu.memory_space<semaphore_mem>>) src(%arg10 : memref<24x768xf32, #tpu.memory_space<vmem>>) dst(%dma_wait3A_137 : memref<24x768xf32, #tpu.memory_space<hbm>>)
    %dma_start3A_138 = arith.constant 240 : i32
    %dma_start3A_139 = tpu.memref_slice %arg5[%dma_start3A_138] : memref<288xi32, #tpu.memory_space<vmem>> -> memref<24xi32, #tpu.memory_space<vmem>>
    %dma_start3A_140 = arith.constant 0 : i32
    %dma_start3A_141 = arith.constant 0 : i32
    %dma_start3A_142 = tpu.memref_slice %arg2[%dma_start3A_140, %dma_start3A_141] : memref<36864x768xf32, #tpu.memory_space<hbm>> -> memref<36864x768xf32, #tpu.memory_space<hbm>>
    tpu.enqueue_indirect_dma source(%dma_start3A_142 : memref<36864x768xf32, #tpu.memory_space<hbm>>) target(%arg10 : memref<24x768xf32, #tpu.memory_space<vmem>>) offsets(%dma_start3A_139 : memref<24xi32, #tpu.memory_space<vmem>>) semaphore(%arg16 : memref<!tpu.dma_semaphore, #tpu.memory_space<semaphore_mem>>)
    %dma_wait3A_143 = arith.constant 120 : i32
    %dma_wait3A_144 = tpu.memref_slice %arg5[%dma_wait3A_143] : memref<288xi32, #tpu.memory_space<vmem>> -> memref<24xi32, #tpu.memory_space<vmem>>
    %dma_wait3A_145 = arith.constant 0 : i32
    %dma_wait3A_146 = arith.constant 0 : i32
    %dma_wait3A_147 = tpu.memref_slice %arg2[%dma_wait3A_145, %dma_wait3A_146] : memref<36864x768xf32, #tpu.memory_space<hbm>> -> memref<36864x768xf32, #tpu.memory_space<hbm>>
    tpu.wait_indirect_dma semaphore(%arg17 : memref<!tpu.dma_semaphore, #tpu.memory_space<semaphore_mem>>) src(%dma_wait3A_147 : memref<36864x768xf32, #tpu.memory_space<hbm>>) dst(%arg11 : memref<24x768xf32, #tpu.memory_space<vmem>>)
    %add3A_148 = arith.constant 5 : i32
    %add3A_149 = arith.addi %mul3A_2, %add3A_148 : i32
    %mul3A_150 = arith.constant 24 : i32
    %mul3A_151 = arith.muli %add3A_149, %mul3A_150 : i32
    %dma_start3A_152 = arith.constant 0 : i32
    %dma_start3A_153 = tpu.memref_slice %arg4[%mul3A_151, %dma_start3A_152] : memref<9216x768xf32, #tpu.memory_space<hbm>> -> memref<24x768xf32, #tpu.memory_space<hbm>>
    %dma_start3A_154 = arith.constant 0 : i32
    %dma_start3A_155 = tpu.memref_slice %arg4[%mul3A_151, %dma_start3A_154] : memref<9216x768xf32, #tpu.memory_space<hbm>> -> memref<24x768xf32, #tpu.memory_space<hbm>>
    tpu.enqueue_dma source(%arg11 : memref<24x768xf32, #tpu.memory_space<vmem>>) target(%dma_start3A_155 : memref<24x768xf32, #tpu.memory_space<hbm>>) target_semaphore(%arg23 : memref<!tpu.dma_semaphore, #tpu.memory_space<semaphore_mem>>)
    %dma_wait3A_156 = arith.constant 0 : i32
    %dma_wait3A_157 = tpu.memref_slice %arg4[%mul3A_151, %dma_wait3A_156] : memref<9216x768xf32, #tpu.memory_space<hbm>> -> memref<24x768xf32, #tpu.memory_space<hbm>>
    %dma_wait3A_158 = arith.constant 0 : i32
    %dma_wait3A_159 = tpu.memref_slice %arg4[%mul3A_151, %dma_wait3A_158] : memref<9216x768xf32, #tpu.memory_space<hbm>> -> memref<24x768xf32, #tpu.memory_space<hbm>>
    tpu.wait_dma2 semaphore(%arg23 : memref<!tpu.dma_semaphore, #tpu.memory_space<semaphore_mem>>) src(%arg11 : memref<24x768xf32, #tpu.memory_space<vmem>>) dst(%dma_wait3A_159 : memref<24x768xf32, #tpu.memory_space<hbm>>)
    %dma_start3A_160 = arith.constant 264 : i32
    %dma_start3A_161 = tpu.memref_slice %arg5[%dma_start3A_160] : memref<288xi32, #tpu.memory_space<vmem>> -> memref<24xi32, #tpu.memory_space<vmem>>
    %dma_start3A_162 = arith.constant 0 : i32
    %dma_start3A_163 = arith.constant 0 : i32
    %dma_start3A_164 = tpu.memref_slice %arg2[%dma_start3A_162, %dma_start3A_163] : memref<36864x768xf32, #tpu.memory_space<hbm>> -> memref<36864x768xf32, #tpu.memory_space<hbm>>
    tpu.enqueue_indirect_dma source(%dma_start3A_164 : memref<36864x768xf32, #tpu.memory_space<hbm>>) target(%arg11 : memref<24x768xf32, #tpu.memory_space<vmem>>) offsets(%dma_start3A_161 : memref<24xi32, #tpu.memory_space<vmem>>) semaphore(%arg17 : memref<!tpu.dma_semaphore, #tpu.memory_space<semaphore_mem>>)
    %dma_wait3A_165 = arith.constant 144 : i32
    %dma_wait3A_166 = tpu.memref_slice %arg5[%dma_wait3A_165] : memref<288xi32, #tpu.memory_space<vmem>> -> memref<24xi32, #tpu.memory_space<vmem>>
    %dma_wait3A_167 = arith.constant 0 : i32
    %dma_wait3A_168 = arith.constant 0 : i32
    %dma_wait3A_169 = tpu.memref_slice %arg2[%dma_wait3A_167, %dma_wait3A_168] : memref<36864x768xf32, #tpu.memory_space<hbm>> -> memref<36864x768xf32, #tpu.memory_space<hbm>>
    tpu.wait_indirect_dma semaphore(%arg12 : memref<!tpu.dma_semaphore, #tpu.memory_space<semaphore_mem>>) src(%dma_wait3A_169 : memref<36864x768xf32, #tpu.memory_space<hbm>>) dst(%arg6 : memref<24x768xf32, #tpu.memory_space<vmem>>)
    %add3A_170 = arith.constant 6 : i32
    %add3A_171 = arith.addi %mul3A_2, %add3A_170 : i32
    %mul3A_172 = arith.constant 24 : i32
    %mul3A_173 = arith.muli %add3A_171, %mul3A_172 : i32
    %dma_start3A_174 = arith.constant 0 : i32
    %dma_start3A_175 = tpu.memref_slice %arg4[%mul3A_173, %dma_start3A_174] : memref<9216x768xf32, #tpu.memory_space<hbm>> -> memref<24x768xf32, #tpu.memory_space<hbm>>
    %dma_start3A_176 = arith.constant 0 : i32
    %dma_start3A_177 = tpu.memref_slice %arg4[%mul3A_173, %dma_start3A_176] : memref<9216x768xf32, #tpu.memory_space<hbm>> -> memref<24x768xf32, #tpu.memory_space<hbm>>
    tpu.enqueue_dma source(%arg6 : memref<24x768xf32, #tpu.memory_space<vmem>>) target(%dma_start3A_177 : memref<24x768xf32, #tpu.memory_space<hbm>>) target_semaphore(%arg18 : memref<!tpu.dma_semaphore, #tpu.memory_space<semaphore_mem>>)
    %dma_wait3A_178 = arith.constant 168 : i32
    %dma_wait3A_179 = tpu.memref_slice %arg5[%dma_wait3A_178] : memref<288xi32, #tpu.memory_space<vmem>> -> memref<24xi32, #tpu.memory_space<vmem>>
    %dma_wait3A_180 = arith.constant 0 : i32
    %dma_wait3A_181 = arith.constant 0 : i32
    %dma_wait3A_182 = tpu.memref_slice %arg2[%dma_wait3A_180, %dma_wait3A_181] : memref<36864x768xf32, #tpu.memory_space<hbm>> -> memref<36864x768xf32, #tpu.memory_space<hbm>>
    tpu.wait_indirect_dma semaphore(%arg13 : memref<!tpu.dma_semaphore, #tpu.memory_space<semaphore_mem>>) src(%dma_wait3A_182 : memref<36864x768xf32, #tpu.memory_space<hbm>>) dst(%arg7 : memref<24x768xf32, #tpu.memory_space<vmem>>)
    %add3A_183 = arith.constant 7 : i32
    %add3A_184 = arith.addi %mul3A_2, %add3A_183 : i32
    %mul3A_185 = arith.constant 24 : i32
    %mul3A_186 = arith.muli %add3A_184, %mul3A_185 : i32
    %dma_start3A_187 = arith.constant 0 : i32
    %dma_start3A_188 = tpu.memref_slice %arg4[%mul3A_186, %dma_start3A_187] : memref<9216x768xf32, #tpu.memory_space<hbm>> -> memref<24x768xf32, #tpu.memory_space<hbm>>
    %dma_start3A_189 = arith.constant 0 : i32
    %dma_start3A_190 = tpu.memref_slice %arg4[%mul3A_186, %dma_start3A_189] : memref<9216x768xf32, #tpu.memory_space<hbm>> -> memref<24x768xf32, #tpu.memory_space<hbm>>
    tpu.enqueue_dma source(%arg7 : memref<24x768xf32, #tpu.memory_space<vmem>>) target(%dma_start3A_190 : memref<24x768xf32, #tpu.memory_space<hbm>>) target_semaphore(%arg19 : memref<!tpu.dma_semaphore, #tpu.memory_space<semaphore_mem>>)
    %dma_wait3A_191 = arith.constant 192 : i32
    %dma_wait3A_192 = tpu.memref_slice %arg5[%dma_wait3A_191] : memref<288xi32, #tpu.memory_space<vmem>> -> memref<24xi32, #tpu.memory_space<vmem>>
    %dma_wait3A_193 = arith.constant 0 : i32
    %dma_wait3A_194 = arith.constant 0 : i32
    %dma_wait3A_195 = tpu.memref_slice %arg2[%dma_wait3A_193, %dma_wait3A_194] : memref<36864x768xf32, #tpu.memory_space<hbm>> -> memref<36864x768xf32, #tpu.memory_space<hbm>>
    tpu.wait_indirect_dma semaphore(%arg14 : memref<!tpu.dma_semaphore, #tpu.memory_space<semaphore_mem>>) src(%dma_wait3A_195 : memref<36864x768xf32, #tpu.memory_space<hbm>>) dst(%arg8 : memref<24x768xf32, #tpu.memory_space<vmem>>)
    %add3A_196 = arith.constant 8 : i32
    %add3A_197 = arith.addi %mul3A_2, %add3A_196 : i32
    %mul3A_198 = arith.constant 24 : i32
    %mul3A_199 = arith.muli %add3A_197, %mul3A_198 : i32
    %dma_start3A_200 = arith.constant 0 : i32
    %dma_start3A_201 = tpu.memref_slice %arg4[%mul3A_199, %dma_start3A_200] : memref<9216x768xf32, #tpu.memory_space<hbm>> -> memref<24x768xf32, #tpu.memory_space<hbm>>
    %dma_start3A_202 = arith.constant 0 : i32
    %dma_start3A_203 = tpu.memref_slice %arg4[%mul3A_199, %dma_start3A_202] : memref<9216x768xf32, #tpu.memory_space<hbm>> -> memref<24x768xf32, #tpu.memory_space<hbm>>
    tpu.enqueue_dma source(%arg8 : memref<24x768xf32, #tpu.memory_space<vmem>>) target(%dma_start3A_203 : memref<24x768xf32, #tpu.memory_space<hbm>>) target_semaphore(%arg20 : memref<!tpu.dma_semaphore, #tpu.memory_space<semaphore_mem>>)
    %dma_wait3A_204 = arith.constant 216 : i32
    %dma_wait3A_205 = tpu.memref_slice %arg5[%dma_wait3A_204] : memref<288xi32, #tpu.memory_space<vmem>> -> memref<24xi32, #tpu.memory_space<vmem>>
    %dma_wait3A_206 = arith.constant 0 : i32
    %dma_wait3A_207 = arith.constant 0 : i32
    %dma_wait3A_208 = tpu.memref_slice %arg2[%dma_wait3A_206, %dma_wait3A_207] : memref<36864x768xf32, #tpu.memory_space<hbm>> -> memref<36864x768xf32, #tpu.memory_space<hbm>>
    tpu.wait_indirect_dma semaphore(%arg15 : memref<!tpu.dma_semaphore, #tpu.memory_space<semaphore_mem>>) src(%dma_wait3A_208 : memref<36864x768xf32, #tpu.memory_space<hbm>>) dst(%arg9 : memref<24x768xf32, #tpu.memory_space<vmem>>)
    %add3A_209 = arith.constant 9 : i32
    %add3A_210 = arith.addi %mul3A_2, %add3A_209 : i32
    %mul3A_211 = arith.constant 24 : i32
    %mul3A_212 = arith.muli %add3A_210, %mul3A_211 : i32
    %dma_start3A_213 = arith.constant 0 : i32
    %dma_start3A_214 = tpu.memref_slice %arg4[%mul3A_212, %dma_start3A_213] : memref<9216x768xf32, #tpu.memory_space<hbm>> -> memref<24x768xf32, #tpu.memory_space<hbm>>
    %dma_start3A_215 = arith.constant 0 : i32
    %dma_start3A_216 = tpu.memref_slice %arg4[%mul3A_212, %dma_start3A_215] : memref<9216x768xf32, #tpu.memory_space<hbm>> -> memref<24x768xf32, #tpu.memory_space<hbm>>
    tpu.enqueue_dma source(%arg9 : memref<24x768xf32, #tpu.memory_space<vmem>>) target(%dma_start3A_216 : memref<24x768xf32, #tpu.memory_space<hbm>>) target_semaphore(%arg21 : memref<!tpu.dma_semaphore, #tpu.memory_space<semaphore_mem>>)
    %dma_wait3A_217 = arith.constant 240 : i32
    %dma_wait3A_218 = tpu.memref_slice %arg5[%dma_wait3A_217] : memref<288xi32, #tpu.memory_space<vmem>> -> memref<24xi32, #tpu.memory_space<vmem>>
    %dma_wait3A_219 = arith.constant 0 : i32
    %dma_wait3A_220 = arith.constant 0 : i32
    %dma_wait3A_221 = tpu.memref_slice %arg2[%dma_wait3A_219, %dma_wait3A_220] : memref<36864x768xf32, #tpu.memory_space<hbm>> -> memref<36864x768xf32, #tpu.memory_space<hbm>>
    tpu.wait_indirect_dma semaphore(%arg16 : memref<!tpu.dma_semaphore, #tpu.memory_space<semaphore_mem>>) src(%dma_wait3A_221 : memref<36864x768xf32, #tpu.memory_space<hbm>>) dst(%arg10 : memref<24x768xf32, #tpu.memory_space<vmem>>)
    %add3A_222 = arith.constant 10 : i32
    %add3A_223 = arith.addi %mul3A_2, %add3A_222 : i32
    %mul3A_224 = arith.constant 24 : i32
    %mul3A_225 = arith.muli %add3A_223, %mul3A_224 : i32
    %dma_start3A_226 = arith.constant 0 : i32
    %dma_start3A_227 = tpu.memref_slice %arg4[%mul3A_225, %dma_start3A_226] : memref<9216x768xf32, #tpu.memory_space<hbm>> -> memref<24x768xf32, #tpu.memory_space<hbm>>
    %dma_start3A_228 = arith.constant 0 : i32
    %dma_start3A_229 = tpu.memref_slice %arg4[%mul3A_225, %dma_start3A_228] : memref<9216x768xf32, #tpu.memory_space<hbm>> -> memref<24x768xf32, #tpu.memory_space<hbm>>
    tpu.enqueue_dma source(%arg10 : memref<24x768xf32, #tpu.memory_space<vmem>>) target(%dma_start3A_229 : memref<24x768xf32, #tpu.memory_space<hbm>>) target_semaphore(%arg22 : memref<!tpu.dma_semaphore, #tpu.memory_space<semaphore_mem>>)
    %dma_wait3A_230 = arith.constant 264 : i32
    %dma_wait3A_231 = tpu.memref_slice %arg5[%dma_wait3A_230] : memref<288xi32, #tpu.memory_space<vmem>> -> memref<24xi32, #tpu.memory_space<vmem>>
    %dma_wait3A_232 = arith.constant 0 : i32
    %dma_wait3A_233 = arith.constant 0 : i32
    %dma_wait3A_234 = tpu.memref_slice %arg2[%dma_wait3A_232, %dma_wait3A_233] : memref<36864x768xf32, #tpu.memory_space<hbm>> -> memref<36864x768xf32, #tpu.memory_space<hbm>>
    tpu.wait_indirect_dma semaphore(%arg17 : memref<!tpu.dma_semaphore, #tpu.memory_space<semaphore_mem>>) src(%dma_wait3A_234 : memref<36864x768xf32, #tpu.memory_space<hbm>>) dst(%arg11 : memref<24x768xf32, #tpu.memory_space<vmem>>)
    %add3A_235 = arith.constant 11 : i32
    %add3A_236 = arith.addi %mul3A_2, %add3A_235 : i32
    %mul3A_237 = arith.constant 24 : i32
    %mul3A_238 = arith.muli %add3A_236, %mul3A_237 : i32
    %dma_start3A_239 = arith.constant 0 : i32
    %dma_start3A_240 = tpu.memref_slice %arg4[%mul3A_238, %dma_start3A_239] : memref<9216x768xf32, #tpu.memory_space<hbm>> -> memref<24x768xf32, #tpu.memory_space<hbm>>
    %dma_start3A_241 = arith.constant 0 : i32
    %dma_start3A_242 = tpu.memref_slice %arg4[%mul3A_238, %dma_start3A_241] : memref<9216x768xf32, #tpu.memory_space<hbm>> -> memref<24x768xf32, #tpu.memory_space<hbm>>
    tpu.enqueue_dma source(%arg11 : memref<24x768xf32, #tpu.memory_space<vmem>>) target(%dma_start3A_242 : memref<24x768xf32, #tpu.memory_space<hbm>>) target_semaphore(%arg23 : memref<!tpu.dma_semaphore, #tpu.memory_space<semaphore_mem>>)
    %dma_wait3A_243 = arith.constant 0 : i32
    %dma_wait3A_244 = tpu.memref_slice %arg4[%mul3A_173, %dma_wait3A_243] : memref<9216x768xf32, #tpu.memory_space<hbm>> -> memref<24x768xf32, #tpu.memory_space<hbm>>
    %dma_wait3A_245 = arith.constant 0 : i32
    %dma_wait3A_246 = tpu.memref_slice %arg4[%mul3A_173, %dma_wait3A_245] : memref<9216x768xf32, #tpu.memory_space<hbm>> -> memref<24x768xf32, #tpu.memory_space<hbm>>
    tpu.wait_dma2 semaphore(%arg18 : memref<!tpu.dma_semaphore, #tpu.memory_space<semaphore_mem>>) src(%arg6 : memref<24x768xf32, #tpu.memory_space<vmem>>) dst(%dma_wait3A_246 : memref<24x768xf32, #tpu.memory_space<hbm>>)
    %dma_wait3A_247 = arith.constant 0 : i32
    %dma_wait3A_248 = tpu.memref_slice %arg4[%mul3A_186, %dma_wait3A_247] : memref<9216x768xf32, #tpu.memory_space<hbm>> -> memref<24x768xf32, #tpu.memory_space<hbm>>
    %dma_wait3A_249 = arith.constant 0 : i32
    %dma_wait3A_250 = tpu.memref_slice %arg4[%mul3A_186, %dma_wait3A_249] : memref<9216x768xf32, #tpu.memory_space<hbm>> -> memref<24x768xf32, #tpu.memory_space<hbm>>
    tpu.wait_dma2 semaphore(%arg19 : memref<!tpu.dma_semaphore, #tpu.memory_space<semaphore_mem>>) src(%arg7 : memref<24x768xf32, #tpu.memory_space<vmem>>) dst(%dma_wait3A_250 : memref<24x768xf32, #tpu.memory_space<hbm>>)
    %dma_wait3A_251 = arith.constant 0 : i32
    %dma_wait3A_252 = tpu.memref_slice %arg4[%mul3A_199, %dma_wait3A_251] : memref<9216x768xf32, #tpu.memory_space<hbm>> -> memref<24x768xf32, #tpu.memory_space<hbm>>
    %dma_wait3A_253 = arith.constant 0 : i32
    %dma_wait3A_254 = tpu.memref_slice %arg4[%mul3A_199, %dma_wait3A_253] : memref<9216x768xf32, #tpu.memory_space<hbm>> -> memref<24x768xf32, #tpu.memory_space<hbm>>
    tpu.wait_dma2 semaphore(%arg20 : memref<!tpu.dma_semaphore, #tpu.memory_space<semaphore_mem>>) src(%arg8 : memref<24x768xf32, #tpu.memory_space<vmem>>) dst(%dma_wait3A_254 : memref<24x768xf32, #tpu.memory_space<hbm>>)
    %dma_wait3A_255 = arith.constant 0 : i32
    %dma_wait3A_256 = tpu.memref_slice %arg4[%mul3A_212, %dma_wait3A_255] : memref<9216x768xf32, #tpu.memory_space<hbm>> -> memref<24x768xf32, #tpu.memory_space<hbm>>
    %dma_wait3A_257 = arith.constant 0 : i32
    %dma_wait3A_258 = tpu.memref_slice %arg4[%mul3A_212, %dma_wait3A_257] : memref<9216x768xf32, #tpu.memory_space<hbm>> -> memref<24x768xf32, #tpu.memory_space<hbm>>
    tpu.wait_dma2 semaphore(%arg21 : memref<!tpu.dma_semaphore, #tpu.memory_space<semaphore_mem>>) src(%arg9 : memref<24x768xf32, #tpu.memory_space<vmem>>) dst(%dma_wait3A_258 : memref<24x768xf32, #tpu.memory_space<hbm>>)
    %dma_wait3A_259 = arith.constant 0 : i32
    %dma_wait3A_260 = tpu.memref_slice %arg4[%mul3A_225, %dma_wait3A_259] : memref<9216x768xf32, #tpu.memory_space<hbm>> -> memref<24x768xf32, #tpu.memory_space<hbm>>
    %dma_wait3A_261 = arith.constant 0 : i32
    %dma_wait3A_262 = tpu.memref_slice %arg4[%mul3A_225, %dma_wait3A_261] : memref<9216x768xf32, #tpu.memory_space<hbm>> -> memref<24x768xf32, #tpu.memory_space<hbm>>
    tpu.wait_dma2 semaphore(%arg22 : memref<!tpu.dma_semaphore, #tpu.memory_space<semaphore_mem>>) src(%arg10 : memref<24x768xf32, #tpu.memory_space<vmem>>) dst(%dma_wait3A_262 : memref<24x768xf32, #tpu.memory_space<hbm>>)
    %dma_wait3A_263 = arith.constant 0 : i32
    %dma_wait3A_264 = tpu.memref_slice %arg4[%mul3A_238, %dma_wait3A_263] : memref<9216x768xf32, #tpu.memory_space<hbm>> -> memref<24x768xf32, #tpu.memory_space<hbm>>
    %dma_wait3A_265 = arith.constant 0 : i32
    %dma_wait3A_266 = tpu.memref_slice %arg4[%mul3A_238, %dma_wait3A_265] : memref<9216x768xf32, #tpu.memory_space<hbm>> -> memref<24x768xf32, #tpu.memory_space<hbm>>
    tpu.wait_dma2 semaphore(%arg23 : memref<!tpu.dma_semaphore, #tpu.memory_space<semaphore_mem>>) src(%arg11 : memref<24x768xf32, #tpu.memory_space<vmem>>) dst(%dma_wait3A_266 : memref<24x768xf32, #tpu.memory_space<hbm>>)
    return
  }
}

</mosaic_0001>

<sc_bundles>
// kernel: kernel.3.cloned.1.call-start
scs
__scs_entry_jumppad:
0x0: {  	(pc) =	sbr.rel $0x88, $3  }
0x1: {  	(tag) =	ssettag $0x0;
	lr =	simm.s32 $0x1  }
0x2: {  	[smem:$0x3FA0] =	sst lr;
	_ =	strace $0xD0000000  }
0x3: {  	_ = 	snop  }
0x4: {  	_ = 	snop  }
0x5: {  	_ = 	snop  }
0x6: {  	_ = 	snop  }
0x7: {  	_ = 	snop  }
__scs_overlays_trampoline_lowered:
0x8: {  	[smem:$0x3FAF] =	sst s0  }
0x9: {  	[smem:$0x3FB0] =	sst s1  }
0xa: {  	[smem:$0x3FB1] =	sst s2  }
0xb: {  	[smem:$0x3FB2] =	sst s3  }
0xc: {  	[smem:$0x3FB3] =	sst s4  }
0xd: {  	[smem:$0x3FB4] =	sst s5  }
0xe: {  	[smem:$0x3FB5] =	sst s6  }
0xf: {  	[smem:$0x3FB6] =	sst s7  }
0x10: {  	[smem:$0x3FB7] =	sst s8  }
0x11: {  	[smem:$0x3FB8] =	sst s9;
	s0 =	simm.s32 @!p0 $0x0  }
0x12: {  	s1 =	sld [smem:$0x3F9E];
	s0 =	simm.s32 @p0 $0x1  }
0x13: {  	[smem:$0x3FB9] =	sst s0;
	s0 =	simm.s32 @!p1 $0x0  }
0x14: {  	s2 =	sld [smem:$0x3F9D];
	s0 =	simm.s32 @p1 $0x1  }
0x15: {  	[smem:$0x3FBA] =	sst s0;
	s0 =	simm.s32 @!p2 $0x0  }
0x16: {  	s3 =	sld [smem:$0x3FDB];
	s0 =	simm.s32 @p2 $0x1  }
0x17: {  	s4 =	simm.s32 $0x1BF5;
	[smem:$0x3FBC] =	sst s0  }
0x18: {  	s0 =	sld [smem:$0x3F9F];
	_ =	swait.ge [sflag:s4], $0x0  }
0x19: {  	s7 =	sld [smem:$0x3FA0]  }
0x1a: {  	s8 =	sadd.s32 $0xFFFFE003, lr  }
0x1b: {  	s9 =	sadd.s32 $0xFFFFFEF7, lr;
	s5 =	simm.s32 $0xFFFFFFFF;
	p2 =	slt.u32 s8, $0xFFFFF086  }
0x1c: {  	p1 =	slt.u32 s9, $0xF7A;
	s5 =	simm.s32 @!p2 $0x0  }
0x1d: {  	s5 =	simm.s32 @p1 $0x1;
	p0 =	seq.s32 s7, s2  }
0x1e: {  	s7 =	smul.u32 @!p0 $0xF7A, s2;
	p2 =	seq.s32 @!p0 s5, $0x0  }
0x1f: {  	s9 =	smul.u32 $0xF7A, s1;
	s8 =	simm.s32 @!p0 $0x1BF5;
	p2 =	por !p2, p0  }
0x20: {  	[sflag:s8] =	ssyncset.s32 @!p0 $0xFFFFF086;
	s6 =	sadd.s32 @!p0 s3, s7;
	s7 =	simm.s32 @!p0 $0x108  }
0x21: {  	s3 =	sadd.s32 s3, s9;
	s6 =	sadd.s32 @!p0 $0x88, s6;
	s7 =	simm.s32 @p2 $0x1082  }
0x22: {  	[simem:s7], [sflag:s8] =	dma.local @!p0 [hbm:s6], $0xF7A  }
0x23: {  	s9 =	sor.u32 $0xD0000000, s2;
	s6 =	simm.s32 $0x108;
	_ =	swait.ge @!p0 [sflag:s8], $0x0  }
0x24: {  	s3 =	sadd.s32 $0x88, s3;
	s6 =	simm.s32 @!p1 $0x1082;
	[sflag:s4] =	ssyncset.s32 $0xFFFFF086  }
0x25: {  	[simem:s6], [sflag:s4] =	dma.local [hbm:s3], $0xF7A  }
0x26: {  	[smem:$0x3FA0] =	sst s1;
	(tag) =	ssettag s2;
	_ =	strace s9  }
0x27: {  	s1 =	sld [smem:$0x3FB0]  }
0x28: {  	s2 =	sld [smem:$0x3FB1]  }
0x29: {  	s4 =	sld [smem:$0x3FB3]  }
0x2a: {  	p0 =	seq.s32 s5, $0x0;
	s5 =	sld [smem:$0x3FB4]  }
0x2b: {  	s6 =	sld [smem:$0x3FB5]  }
0x2c: {  	s7 =	sld [smem:$0x3FB6]  }
0x2d: {  	s3 =	simm.s32 $0x108;
	s8 =	sld [smem:$0x3FB7]  }
0x2e: {  	s3 =	simm.s32 @!p0 $0x1082;
	s9 =	sld [smem:$0x3FB8]  }
0x2f: {  	lr =	sadd.s32 s0, s3;
	s0 =	sld [smem:$0x3FAF]  }
0x30: {  	s3 =	sld [smem:$0x3FB2]  }
0x31: {  	[smem:$0x3FBB] =	sst s10  }
0x32: {  	s10 =	sld [smem:$0x3FB9];
	_ =	sdelay $0x3  }
0x33: {  	p0 =	seq.s32 s10, $0x1;
	s10 =	sld [smem:$0x3FBB];
	_ =	sdelay $0x3  }
0x34: {  	[smem:$0x3FBB] =	sst s10  }
0x35: {  	s10 =	sld [smem:$0x3FBA];
	_ =	sdelay $0x3  }
0x36: {  	p1 =	seq.s32 s10, $0x1;
	s10 =	sld [smem:$0x3FBB];
	_ =	sdelay $0x3  }
0x37: {  	[smem:$0x3FBB] =	sst s10  }
0x38: {  	s10 =	sld [smem:$0x3FBC]  }
0x39: {  	_ = 	snop;
	(pc) =	sbr.ind lr, $3  }
0x3a: {  	_ = 	snop  }
0x3b: {  	_ = 	snop  }
0x3c: {  	p2 =	seq.s32 s10, $0x1;
	s10 =	sld [smem:$0x3FBB]  }
0x3d: {  	_ =	shalt  }
0x3e: {  	_ =	shalt  }
0x3f: {  	_ =	shalt  }
0x40: {  	_ =	shalt  }
0x41: {  	_ =	shalt  }
0x42: {  	_ =	shalt  }
0x43: {  	_ =	shalt  }
0x44: {  	_ =	shalt  }
0x45: {  	_ =	shalt  }
0x46: {  	_ =	shalt  }
0x47: {  	_ =	shalt  }
0x48: {  	_ =	shalt  }
0x49: {  	_ =	shalt  }
0x4a: {  	_ =	shalt  }
0x4b: {  	_ =	shalt  }
0x4c: {  	_ =	shalt  }
0x4d: {  	_ =	shalt  }
0x4e: {  	_ =	shalt  }
0x4f: {  	_ =	shalt  }
0x50: {  	_ =	shalt  }
0x51: {  	_ =	shalt  }
0x52: {  	_ =	shalt  }
0x53: {  	_ =	shalt  }
0x54: {  	_ =	shalt  }
0x55: {  	_ =	shalt  }
0x56: {  	_ =	shalt  }
0x57: {  	_ =	shalt  }
0x58: {  	_ =	shalt  }
0x59: {  	_ =	shalt  }
0x5a: {  	_ =	shalt  }
0x5b: {  	_ =	shalt  }
0x5c: {  	_ =	shalt  }
0x5d: {  	_ =	shalt  }
0x5e: {  	_ =	shalt  }
0x5f: {  	_ =	shalt  }
0x60: {  	_ =	shalt  }
0x61: {  	_ =	shalt  }
0x62: {  	_ =	shalt  }
0x63: {  	_ =	shalt  }
0x64: {  	_ =	shalt  }
0x65: {  	_ =	shalt  }
0x66: {  	_ =	shalt  }
0x67: {  	_ =	shalt  }
0x68: {  	_ =	shalt  }
0x69: {  	_ =	shalt  }
0x6a: {  	_ =	shalt  }
0x6b: {  	_ =	shalt  }
0x6c: {  	_ =	shalt  }
0x6d: {  	_ =	shalt  }
0x6e: {  	_ =	shalt  }
0x6f: {  	_ =	shalt  }
0x70: {  	_ =	shalt  }
0x71: {  	_ =	shalt  }
0x72: {  	_ =	shalt  }
0x73: {  	_ =	shalt  }
0x74: {  	_ =	shalt  }
0x75: {  	_ =	shalt  }
0x76: {  	_ =	shalt  }
0x77: {  	_ =	shalt  }
0x78: {  	_ =	shalt  }
0x79: {  	_ =	shalt  }
0x7a: {  	_ =	shalt  }
0x7b: {  	_ =	shalt  }
0x7c: {  	_ =	shalt  }
0x7d: {  	_ =	shalt  }
0x7e: {  	_ =	shalt  }
0x7f: {  	_ =	shalt  }
0x80: {  	_ =	shalt  }
0x81: {  	_ =	shalt  }
0x82: {  	_ =	shalt  }
0x83: {  	_ =	shalt  }
0x84: {  	_ =	shalt  }
0x85: {  	_ =	shalt  }
0x86: {  	_ =	shalt  }
0x87: {  	_ =	shalt  }
.Lfunc_end0:
.L_simem_size_0:
called_computation_lowered:
.L_overlay_start_0:
0x88: {  	s2 =	sld [smem:$0x3FD9]  }
0x89: {  	s3 =	sld [smem:$0x3FFE];
	_ =	sdelay $0x1  }
0x8a: {  	s1 =	srdreg.scid  }
0x8b: {  	s0 =	sand.u32 $0x1, s1  }
0x8c: {  	s15 =	sshll.u32 s0, $0xA;
	s2 =	sadd.s32 s3, s2  }
0x8d: {  	s2 =	sadd.s32 s2, s15  }
0x8e: {  	[smem:$0x3FC7] =	sst s2  }
0x8f: {  	_ = 	snop  }
0x90: {  	s2 =	sld [smem:$0x3FD0];
	_ =	sdelay $0x2  }
0x91: {  	s4 =	simm.s32 $0xA;
	s5 =	simm.s32 $0x10;
	s16 =	sld [smem:$0x3FC9]  }
0x92: {  	[smem:s5], [sflag:s4] =	dma.local [hbm:s2], $0x1  }
0x93: {  	_ =	swait.eq [sflag:s4], $0x1  }
0x94: {  	[sflag:s4] =	ssyncset.done $0x0  }
0x95: {  	s17 =	sld [smem:$0x10];
	[sflag:s4] =	ssyncadd.s32 $0xFFFFFFFF  }
0x96: {  	s18 =	sld [smem:$0x12];
	(tm) =	ssettm $0x1  }
0x97: {  	s19 =	sld [smem:$0x3FFB];
	_ =	sdelay $0x3  }
0x98: {  	_ =	strace s19  }
0x99: {  	s5 =	sld [smem:$0x3FFC];
	_ =	sdelay $0x3  }
0x9a: {  	_ =	strace s5  }
0x9b: {  	s5 =	sld [smem:$0x3FFD];
	_ =	sdelay $0x3  }
0x9c: {  	_ =	strace s5  }
0x9d: {  	_ =	strace $0x8FFFFFFF  }
0x9e: {  	s20 =	sld [smem:$0x3FDB];
	_ =	sdelay $0x1  }
0x9f: {  	s6 =	simm.s32 $_scs_section_size  }
0xa0: {  	s7 =	simm.s32 $_size__tile_overlayer_lowered;
	s8 =	simm.s32 $_tile_overlayer_lowered  }
0xa1: {  	s23 =	simm.s32 $0x1BFF;
	s22 =	sshll.u32 s8, $0x1;
	s5 =	sadd.s32 s6, s20  }
0xa2: {  	s9 =	simm.s32 $0x0;
	s21 =	sshll.u32 s7, $0x1;
	s7 =	sadd.s32 s22, s5  }
0xa3: {  	[timem:s9], [sflag:s23] =	dma.local [hbm:s7], s21  }
0xa4: {  	_ =	swait.ge [sflag:s23], s21  }
0xa5: {  	s6 =	ssub.s32 $0x0, s21;
	[sflag:s23] =	ssyncset.done $0x0  }
0xa6: {  	[sflag:s23] =	ssyncadd.s32 s6;
	_ =	sdelay $0x1  }
0xa7: {  	s24 =	simm.s32 $0x1B8B  }
0xa8: {  	_ =	swait.ge [sflag:s24], $0x1  }
0xa9: {  	[sflag:s24] =	ssyncset.done $0x0  }
0xaa: {  	s25 =	simm.s32 $0x1B8E;
	[sflag:s24] =	ssyncadd.s32 $0xFFFFFFFF  }
0xab: {  	s26 =	simm.s32 $execute0_lowered;
	[smem:$0x3FD2] =	sst s25  }
0xac: {  	s6 =	sshll.u32 s26, $0x1;
	_ =	strace $0x80000046;
	[dreg:$0x1] =	wrdreg $0xFFFFFFFF  }
0xad: {  	s28 =	simm.s32 $_size_execute0_lowered;
	s5 =	sadd.s32 s5, s6;
	[dreg:$0x0] =	wrdreg $0x0  }
0xae: {  	s6 =	sshll.u32 s28, $0x1;
	[dreg:$0x2] =	wrdreg s5  }
0xaf: {  	[dreg:$0x3] =	wrdreg s6  }
0xb0: {  	[dreg:$0x4] =	wrdreg $0xC0  }
0xb1: {  	_ =	task [dreg:s9], $0x5FFFF  }
0xb2: {  	[dreg:$0x1] =	wrdreg $0xFFFFFFFF  }
0xb3: {  	[dreg:$0x0] =	wrdreg $0x60  }
0xb4: {  	[dreg:$0x2] =	wrdreg s16  }
0xb5: {  	[dreg:$0x3] =	wrdreg s18  }
0xb6: {  	[dreg:$0x4] =	wrdreg s17  }
0xb7: {  	[dreg:$0x5] =	wrdreg $0x9  }
0xb8: {  	_ =	task.clear_ibuf [dreg:s9], $0x6FFFF;
	_ =	strace $0x90000046  }
0xb9: {  	s29 =	simm.s32 $0x9;
	_ =	strace $0x80000048  }
0xba: {  	_ =	swait.ge [sflag:s29], $0x1  }
0xbb: {  	[sflag:s29] =	ssyncadd.s32 $0xFFFFFFFF  }
0xbc: {  	_ =	strace $0x90000048  }
0xbd: {  	_ =	sfence  }
0xbe: {  	s30 =	sld [smem:$0x0];
	_ =	sdelay $0x2  }
0xbf: {  	s31 =	sshll.u32 s1, $0xD;
	s1 =	sshrl.u32 s1, $0x2  }
0xc0: {  	s3 =	sand.u32 $0x4000, s31;
	s1 =	sadd.s32 s1, s30  }
0xc1: {  	s0 =	sor.u32 s3, s0;
	s1 =	sshll.u32 s1, $0x11  }
0xc2: {  	s0 =	sor.u32 s1, s0  }
0xc3: {  	s0 =	sadd.s32 $0x8F2B, s0  }
0xc4: {  	[sflag:s0] =	ssyncadd.remote.s32 $0x1  }
0xc5: {  	_ =	sfence.sel $0xFFFF  }
0xc6: {  	[dreg:$0x0] =	wrdreg $0xFFFFFFFF;
	(pc) =	sbr.abs _section_cstart, $3  }
0xc7: {  	[dreg:$0x1] =	wrdreg $0xFFFFFFFF  }
0xc8: {  	_ =	task.clear_ibuf [dreg:s9], $0x2FFFF;
	_ =	strace $0x9FFFFFFF  }
0xc9: {  	(tm) =	ssettm $0x7FFFFFFF  }
tec
execute0_lowered:
.L_overlay_start_1:
0x0: {  	(tag) =	ssettag $0x1  }
0x1: {  	s0 =	srdreg.scid;
	s1 =	rddreg [dreg:$0x0]  }
0x2: {  	s2 =	stileid.u32;
	s4 =	rddreg [dreg:$0x1]  }
0x3: {  	s7 =	rddreg [dreg:$0x2];
	s0 =	sand.u32 $0x1, s0;
	s2 =	sshll.u32 s2, $0x1  }
0x4: {  	s3 =	simm.s32 $0x0;
	s28 =	simm.s32 $0x9180;
	s2 =	sor.u32 s0, s2  }
0x5: {  	s30 =	simm.s32 $0xA980;
	s0 =	ssub.s32 $0x2, s0;
	s5 =	smul.u32 $0x120, s2  }
0x6: {  	[smem:$0x7FF] =	sst s3;
	s2 =	smul.u32 $0x36000, s2;
	s18 =	sshrl.u32 s0, $0x1  }
0x7: {  	s31 =	simm.s32 $0xB180;
	_ =	strace $0x80000047;
	s0 =	ssub.s32 s0, s18  }
0x8: {  	s6 =	sshrl.u32 s5, $0x3;
	s2 =	sshrl.u32 s2, $0x3;
	s10 =	sadd.s32 $0x48, s5  }
0x9: {  	s11 =	sadd.s32 $0x78, s5;
	s17 =	sadd.s32 $0xA8, s5;
	s8 =	sadd.s32 $0xD8, s5  }
0xa: {  	s5 =	sadd.s32 $0x108, s5;
	s29 =	smax.u32 s0, $0x1;
	s4 =	sadd.s32 s4, s6  }
0xb: {  	s6 =	smul.u32 $0x300, s6;
	s2 =	sadd.s32 s7, s2;
	s19 =	sshrl.u32 s17, $0x3  }
0xc: {  	s21 =	sshrl.u32 s8, $0x3;
	s5 =	sshrl.u32 s5, $0x3;
	[dreg:$0x4] =	wrdreg s4  }
0xd: {  	s4 =	sshrl.u32 s10, $0x3;
	s2 =	sadd.s32 $0x900, s2;
	s24 =	smul.u32 $0x300, s5  }
0xe: {  	s5 =	sadd.s32 $0x100, s1;
	s9 =	sadd.s32 s7, s6;
	s4 =	smul.u32 $0x300, s4  }
0xf: {  	[dreg:$0x5] =	wrdreg s2;
	s6 =	sshrl.u32 s11, $0x3;
	s2 =	smul.u32 $0x300, s19  }
0x10: {  	s11 =	simm.s32 $0xD980;
	s12 =	sadd.s32 $0x1200, s9;
	[dreg:$0x10] =	wrdreg s9  }
0x11: {  	s14 =	smul.u32 $0x300, s6;
	s15 =	sadd.s32 $0x2400, s9;
	[dreg:$0x6] =	wrdreg s12  }
0x12: {  	s20 =	sadd.s32 $0x3600, s9;
	s22 =	sadd.s32 $0x4800, s9;
	[dreg:$0x8] =	wrdreg s15  }
0x13: {  	s25 =	sadd.s32 $0x5A00, s9;
	s6 =	sadd.s32 $0x200, s1;
	[dreg:$0xa] =	wrdreg s20  }
0x14: {  	s26 =	sadd.s32 s7, s24;
	s24 =	simm.s32 $0x8180;
	[dreg:$0xc] =	wrdreg s22  }
0x15: {  	s13 =	sadd.s32 s7, s4;
	s2 =	sadd.s32 s7, s2;
	[dreg:$0xe] =	wrdreg s25  }
0x16: {  	s4 =	smul.u32 $0x300, s21;
	[dreg:$0xf] =	wrdreg s26;
	s25 =	simm.s32 $0x6180  }
0x17: {  	s21 =	simm.s32 $0x6980;
	s26 =	simm.s32 $0x7180;
	[dreg:$0x7] =	wrdreg s13  }
0x18: {  	v2 =	vlaneseq.u32;
	s22 =	simm.s32 $0x7980;
	s16 =	sadd.s32 s7, s14;
	[dreg:$0xb] =	wrdreg s2  }
0x19: {  	vm0 =	vmmov $0xffff;
	v1 =	vshrl.u32 v2, $0x3;
	s2 =	simm.s32 $0x7;
	[dreg:$0x9] =	wrdreg s16;
	s23 =	sadd.s32 s7, s4  }
0x1a: {  	v0 =	vand.u32 $0x7, v2;
	v2 =	vor.u32 $0x8, v2;
	v1 =	vmul.u32 $0x8, v1;
	s4 =	simm.s32 $0x16980;
	[dreg:$0xd] =	wrdreg s23;
	s23 =	simm.s32 $0x5980  }
.LBB2_1:
0x1b: {  	s12 =	rddreg [dreg:$0x4];
	s8 =	simm.s32 $0xD  }
0x1c: {  	[tilespmem:s3], [sflag:$0xD] =	stream.linear.gather [hbm4b:s12+s3], $0x120, $0x38;
	[tilespmem:$0x1B180] =	vst v63  }
0x1d: {  	_ =	swait.ge [sflag:s8], $0x120  }
0x1e: {  	[sflag:s8] =	ssyncset.done $0x0  }
0x1f: {  	[sflag:s8] =	ssyncadd.s32 $0xFFFFFEE0  }
0x20: {  	v3 =	vld [tilespmem:$0x0];
	_ =	sdelay $0x4  }
0x21: {  	v4 =	vshrl.u32 v3, $0x3  }
0x22: {  	v4 =	vmul.u32 $0x30, v4  }
0x23: {  	v3 =	vand.u32 $0x7, v3  }
0x24: {  	v3 =	vor.u32 v3, v4  }
0x25: {  	v4 =	vperm.xlane v3, v0;
	_ =	sdelay $0x1  }
0x26: {  	v4 =	vadd.s32 v1, v4;
	_ =	sdelay $0x3  }
0x27: {  	s0 =	simm.s32 $0x180;
	v3 =	vperm.xlane v3, v2  }
0x28: {  	[tilespmem:s0], [sflag:$0x1] =	stream.indirect_vreg.gather [hbm4b:s1+s3], $0x80, v4, vm0, $0xb8;
	[tilespmem:$0x1B180] =	vst v63  }
0x29: {  	s14 =	simm.s32 $0x980;
	v3 =	vadd.s32 v1, v3  }
0x2a: {  	[tilespmem:s14], [sflag:$0x1] =	stream.indirect_vreg.gather [hbm4b:s5+s3], $0x80, v4, vm0, $0xb8;
	[tilespmem:$0x1B180] =	vst v63  }
0x2b: {  	s15 =	simm.s32 $0x1180  }
0x2c: {  	[tilespmem:s15], [sflag:$0x1] =	stream.indirect_vreg.gather [hbm4b:s6+s3], $0x80, v4, vm0, $0xb8;
	[tilespmem:$0x1B180] =	vst v63  }
0x2d: {  	s16 =	simm.s32 $0x1980  }
0x2e: {  	[tilespmem:s16], [sflag:$0x1] =	stream.indirect_vreg.gather [hbm4b:s1+s3], $0x80, v3, vm0, $0xb8;
	[tilespmem:$0x1B180] =	vst v63  }
0x2f: {  	s17 =	simm.s32 $0x2180  }
0x30: {  	[tilespmem:s17], [sflag:$0x1] =	stream.indirect_vreg.gather [hbm4b:s5+s3], $0x80, v3, vm0, $0xb8;
	[tilespmem:$0x1B180] =	vst v63  }
0x31: {  	s19 =	simm.s32 $0x2980  }
0x32: {  	[tilespmem:s19], [sflag:$0x1] =	stream.indirect_vreg.gather [hbm4b:s6+s3], $0x80, v3, vm0, $0xb8;
	[tilespmem:$0x1B180] =	vst v63  }
0x33: {  	v3 =	vld.msk [tilespmem:$0x10], $0xff;
	_ =	sdelay $0x4  }
0x34: {  	v41 =	vshrl.u32 v3, $0x3  }
0x35: {  	v4 =	vmul.u32 $0x30, v41  }
0x36: {  	v3 =	vand.u32 $0x7, v3  }
0x37: {  	v3 =	vor.u32 v3, v4  }
0x38: {  	v3 =	vperm.xlane v3, v0;
	_ =	sdelay $0x1  }
0x39: {  	v3 =	vadd.s32 v1, v3;
	_ =	sdelay $0x3  }
0x3a: {  	s20 =	simm.s32 $0x3180  }
0x3b: {  	[tilespmem:s20], [sflag:$0x1] =	stream.indirect_vreg.gather [hbm4b:s1+s3], $0x80, v3, vm0, $0xb8;
	[tilespmem:$0x1B180] =	vst v63  }
0x3c: {  	s10 =	simm.s32 $0x3980  }
0x3d: {  	[tilespmem:s10], [sflag:$0x1] =	stream.indirect_vreg.gather [hbm4b:s5+s3], $0x80, v3, vm0, $0xb8;
	[tilespmem:$0x1B180] =	vst v63  }
0x3e: {  	s9 =	simm.s32 $0x4180  }
0x3f: {  	[tilespmem:s9], [sflag:$0x1] =	stream.indirect_vreg.gather [hbm4b:s6+s3], $0x80, v3, vm0, $0xb8;
	[tilespmem:$0x1B180] =	vst v63  }
0x40: {  	v3 =	vld [tilespmem:$0x18];
	_ =	sdelay $0x4  }
0x41: {  	v42 =	vshrl.u32 v3, $0x3  }
0x42: {  	v4 =	vmul.u32 $0x30, v42  }
0x43: {  	v3 =	vand.u32 $0x7, v3  }
0x44: {  	v3 =	vor.u32 v3, v4  }
0x45: {  	v4 =	vperm.xlane v3, v0;
	_ =	sdelay $0x1  }
0x46: {  	v4 =	vadd.s32 v1, v4;
	_ =	sdelay $0x3  }
0x47: {  	s7 =	simm.s32 $0x4980;
	v3 =	vperm.xlane v3, v2  }
0x48: {  	[tilespmem:s7], [sflag:$0x2] =	stream.indirect_vreg.gather [hbm4b:s1+s3], $0x80, v4, vm0, $0xb8;
	[tilespmem:$0x1B180] =	vst v63  }
0x49: {  	s13 =	simm.s32 $0x5180;
	v3 =	vadd.s32 v1, v3  }
0x4a: {  	[tilespmem:s13], [sflag:$0x2] =	stream.indirect_vreg.gather [hbm4b:s5+s3], $0x80, v4, vm0, $0xb8;
	[tilespmem:$0x1B180] =	vst v63  }
0x4b: {  	_ = 	snop  }
0x4c: {  	[tilespmem:s23], [sflag:$0x2] =	stream.indirect_vreg.gather [hbm4b:s6+s3], $0x80, v4, vm0, $0xb8;
	[tilespmem:$0x1B180] =	vst v63  }
0x4d: {  	_ = 	snop  }
0x4e: {  	[tilespmem:s25], [sflag:$0x2] =	stream.indirect_vreg.gather [hbm4b:s1+s3], $0x80, v3, vm0, $0xb8;
	[tilespmem:$0x1B180] =	vst v63  }
0x4f: {  	_ = 	snop  }
0x50: {  	[tilespmem:s21], [sflag:$0x2] =	stream.indirect_vreg.gather [hbm4b:s5+s3], $0x80, v3, vm0, $0xb8;
	[tilespmem:$0x1B180] =	vst v63  }
0x51: {  	_ = 	snop  }
0x52: {  	[tilespmem:s26], [sflag:$0x2] =	stream.indirect_vreg.gather [hbm4b:s6+s3], $0x80, v3, vm0, $0xb8;
	[tilespmem:$0x1B180] =	vst v63  }
0x53: {  	v3 =	vld.msk [tilespmem:$0x28], $0xff;
	_ =	sdelay $0x4  }
0x54: {  	v43 =	vshrl.u32 v3, $0x3  }
0x55: {  	v4 =	vmul.u32 $0x30, v43  }
0x56: {  	v3 =	vand.u32 $0x7, v3  }
0x57: {  	v3 =	vor.u32 v3, v4  }
0x58: {  	v3 =	vperm.xlane v3, v0;
	_ =	sdelay $0x1  }
0x59: {  	v3 =	vadd.s32 v1, v3;
	_ =	sdelay $0x4  }
0x5a: {  	[tilespmem:s22], [sflag:$0x2] =	stream.indirect_vreg.gather [hbm4b:s1+s3], $0x80, v3, vm0, $0xb8;
	[tilespmem:$0x1B180] =	vst v63  }
0x5b: {  	_ = 	snop  }
0x5c: {  	[tilespmem:s24], [sflag:$0x2] =	stream.indirect_vreg.gather [hbm4b:s5+s3], $0x80, v3, vm0, $0xb8;
	[tilespmem:$0x1B180] =	vst v63  }
0x5d: {  	s18 =	simm.s32 $0x8980  }
0x5e: {  	[tilespmem:s18], [sflag:$0x2] =	stream.indirect_vreg.gather [hbm4b:s6+s3], $0x80, v3, vm0, $0xb8;
	[tilespmem:$0x1B180] =	vst v63  }
0x5f: {  	v3 =	vld [tilespmem:$0x30];
	_ =	sdelay $0x4  }
0x60: {  	v44 =	vshrl.u32 v3, $0x3  }
0x61: {  	v4 =	vmul.u32 $0x30, v44  }
0x62: {  	v3 =	vand.u32 $0x7, v3  }
0x63: {  	v3 =	vor.u32 v3, v4  }
0x64: {  	v4 =	vperm.xlane v3, v0;
	_ =	sdelay $0x1  }
0x65: {  	v4 =	vadd.s32 v1, v4;
	_ =	sdelay $0x3  }
0x66: {  	v3 =	vperm.xlane v3, v2  }
0x67: {  	[tilespmem:s28], [sflag:$0x3] =	stream.indirect_vreg.gather [hbm4b:s1+s3], $0x80, v4, vm0, $0xb8;
	[tilespmem:$0x1B180] =	vst v63  }
0x68: {  	s8 =	simm.s32 $0x9980;
	v3 =	vadd.s32 v1, v3  }
0x69: {  	[tilespmem:s8], [sflag:$0x3] =	stream.indirect_vreg.gather [hbm4b:s5+s3], $0x80, v4, vm0, $0xb8;
	[tilespmem:$0x1B180] =	vst v63  }
0x6a: {  	s12 =	simm.s32 $0xA180  }
0x6b: {  	[tilespmem:s12], [sflag:$0x3] =	stream.indirect_vreg.gather [hbm4b:s6+s3], $0x80, v4, vm0, $0xb8;
	[tilespmem:$0x1B180] =	vst v63  }
0x6c: {  	_ = 	snop  }
0x6d: {  	[tilespmem:s30], [sflag:$0x3] =	stream.indirect_vreg.gather [hbm4b:s1+s3], $0x80, v3, vm0, $0xb8;
	[tilespmem:$0x1B180] =	vst v63  }
0x6e: {  	_ = 	snop  }
0x6f: {  	[tilespmem:s31], [sflag:$0x3] =	stream.indirect_vreg.gather [hbm4b:s5+s3], $0x80, v3, vm0, $0xb8;
	[tilespmem:$0x1B180] =	vst v63  }
0x70: {  	s7 =	simm.s32 $0xB980  }
0x71: {  	[tilespmem:s7], [sflag:$0x3] =	stream.indirect_vreg.gather [hbm4b:s6+s3], $0x80, v3, vm0, $0xb8;
	[tilespmem:$0x1B180] =	vst v63  }
0x72: {  	v3 =	vld.msk [tilespmem:$0x40], $0xff;
	_ =	sdelay $0x4  }
0x73: {  	v45 =	vshrl.u32 v3, $0x3  }
0x74: {  	v4 =	vmul.u32 $0x30, v45  }
0x75: {  	v3 =	vand.u32 $0x7, v3  }
0x76: {  	v3 =	vor.u32 v3, v4  }
0x77: {  	v3 =	vperm.xlane v3, v0;
	_ =	sdelay $0x1  }
0x78: {  	v3 =	vadd.s32 v1, v3;
	_ =	sdelay $0x3  }
0x79: {  	s8 =	simm.s32 $0xC180  }
0x7a: {  	[tilespmem:s8], [sflag:$0x3] =	stream.indirect_vreg.gather [hbm4b:s1+s3], $0x80, v3, vm0, $0xb8;
	[tilespmem:$0x1B180] =	vst v63  }
0x7b: {  	s12 =	simm.s32 $0xC980  }
0x7c: {  	[tilespmem:s12], [sflag:$0x3] =	stream.indirect_vreg.gather [hbm4b:s5+s3], $0x80, v3, vm0, $0xb8;
	[tilespmem:$0x1B180] =	vst v63  }
0x7d: {  	s7 =	simm.s32 $0xD180  }
0x7e: {  	[tilespmem:s7], [sflag:$0x3] =	stream.indirect_vreg.gather [hbm4b:s6+s3], $0x80, v3, vm0, $0xb8;
	[tilespmem:$0x1B180] =	vst v63  }
0x7f: {  	v3 =	vld [tilespmem:$0x48];
	_ =	sdelay $0x4  }
0x80: {  	v46 =	vshrl.u32 v3, $0x3  }
0x81: {  	v4 =	vmul.u32 $0x30, v46  }
0x82: {  	v3 =	vand.u32 $0x7, v3  }
0x83: {  	v3 =	vor.u32 v3, v4  }
0x84: {  	v4 =	vperm.xlane v3, v0;
	_ =	sdelay $0x1  }
0x85: {  	v4 =	vadd.s32 v1, v4;
	_ =	sdelay $0x3  }
0x86: {  	v3 =	vperm.xlane v3, v2  }
0x87: {  	[tilespmem:s11], [sflag:$0x4] =	stream.indirect_vreg.gather [hbm4b:s1+s3], $0x80, v4, vm0, $0xb8;
	[tilespmem:$0x1B180] =	vst v63  }
0x88: {  	s8 =	simm.s32 $0xE180;
	v3 =	vadd.s32 v1, v3  }
0x89: {  	[tilespmem:s8], [sflag:$0x4] =	stream.indirect_vreg.gather [hbm4b:s5+s3], $0x80, v4, vm0, $0xb8;
	[tilespmem:$0x1B180] =	vst v63  }
0x8a: {  	s12 =	simm.s32 $0xE980  }
0x8b: {  	[tilespmem:s12], [sflag:$0x4] =	stream.indirect_vreg.gather [hbm4b:s6+s3], $0x80, v4, vm0, $0xb8;
	[tilespmem:$0x1B180] =	vst v63  }
0x8c: {  	s7 =	simm.s32 $0xF180  }
0x8d: {  	[tilespmem:s7], [sflag:$0x4] =	stream.indirect_vreg.gather [hbm4b:s1+s3], $0x80, v3, vm0, $0xb8;
	[tilespmem:$0x1B180] =	vst v63  }
0x8e: {  	s8 =	simm.s32 $0xF980  }
0x8f: {  	[tilespmem:s8], [sflag:$0x4] =	stream.indirect_vreg.gather [hbm4b:s5+s3], $0x80, v3, vm0, $0xb8;
	[tilespmem:$0x1B180] =	vst v63  }
0x90: {  	s12 =	simm.s32 $0x10180  }
0x91: {  	[tilespmem:s12], [sflag:$0x4] =	stream.indirect_vreg.gather [hbm4b:s6+s3], $0x80, v3, vm0, $0xb8;
	[tilespmem:$0x1B180] =	vst v63  }
0x92: {  	v3 =	vld.msk [tilespmem:$0x58], $0xff;
	_ =	sdelay $0x4  }
0x93: {  	v47 =	vshrl.u32 v3, $0x3  }
0x94: {  	v4 =	vmul.u32 $0x30, v47  }
0x95: {  	v3 =	vand.u32 $0x7, v3  }
0x96: {  	v3 =	vor.u32 v3, v4  }
0x97: {  	v3 =	vperm.xlane v3, v0;
	_ =	sdelay $0x1  }
0x98: {  	v3 =	vadd.s32 v1, v3;
	_ =	sdelay $0x3  }
0x99: {  	s7 =	simm.s32 $0x10980  }
0x9a: {  	[tilespmem:s7], [sflag:$0x4] =	stream.indirect_vreg.gather [hbm4b:s1+s3], $0x80, v3, vm0, $0xb8;
	[tilespmem:$0x1B180] =	vst v63  }
0x9b: {  	s8 =	simm.s32 $0x11180  }
0x9c: {  	[tilespmem:s8], [sflag:$0x4] =	stream.indirect_vreg.gather [hbm4b:s5+s3], $0x80, v3, vm0, $0xb8;
	[tilespmem:$0x1B180] =	vst v63  }
0x9d: {  	s12 =	simm.s32 $0x11980  }
0x9e: {  	[tilespmem:s12], [sflag:$0x4] =	stream.indirect_vreg.gather [hbm4b:s6+s3], $0x80, v3, vm0, $0xb8;
	[tilespmem:$0x1B180] =	vst v63  }
0x9f: {  	v3 =	vld [tilespmem:$0x60];
	_ =	sdelay $0x4  }
0xa0: {  	v48 =	vshrl.u32 v3, $0x3  }
0xa1: {  	v4 =	vmul.u32 $0x30, v48  }
0xa2: {  	v3 =	vand.u32 $0x7, v3  }
0xa3: {  	v3 =	vor.u32 v3, v4  }
0xa4: {  	v4 =	vperm.xlane v3, v0;
	_ =	sdelay $0x1  }
0xa5: {  	v4 =	vadd.s32 v1, v4;
	_ =	sdelay $0x3  }
0xa6: {  	s8 =	simm.s32 $0x12180;
	v3 =	vperm.xlane v3, v2  }
0xa7: {  	[tilespmem:s8], [sflag:$0x5] =	stream.indirect_vreg.gather [hbm4b:s1+s3], $0x80, v4, vm0, $0xb8;
	[tilespmem:$0x1B180] =	vst v63  }
0xa8: {  	s7 =	simm.s32 $0x12980;
	v3 =	vadd.s32 v1, v3  }
0xa9: {  	[tilespmem:s7], [sflag:$0x5] =	stream.indirect_vreg.gather [hbm4b:s5+s3], $0x80, v4, vm0, $0xb8;
	[tilespmem:$0x1B180] =	vst v63  }
0xaa: {  	s12 =	simm.s32 $0x13180  }
0xab: {  	[tilespmem:s12], [sflag:$0x5] =	stream.indirect_vreg.gather [hbm4b:s6+s3], $0x80, v4, vm0, $0xb8;
	[tilespmem:$0x1B180] =	vst v63  }
0xac: {  	s7 =	simm.s32 $0x13980  }
0xad: {  	[tilespmem:s7], [sflag:$0x5] =	stream.indirect_vreg.gather [hbm4b:s1+s3], $0x80, v3, vm0, $0xb8;
	[tilespmem:$0x1B180] =	vst v63  }
0xae: {  	s12 =	simm.s32 $0x14180  }
0xaf: {  	[tilespmem:s12], [sflag:$0x5] =	stream.indirect_vreg.gather [hbm4b:s5+s3], $0x80, v3, vm0, $0xb8;
	[tilespmem:$0x1B180] =	vst v63  }
0xb0: {  	s7 =	simm.s32 $0x14980  }
0xb1: {  	[tilespmem:s7], [sflag:$0x5] =	stream.indirect_vreg.gather [hbm4b:s6+s3], $0x80, v3, vm0, $0xb8;
	[tilespmem:$0x1B180] =	vst v63  }
0xb2: {  	v3 =	vld.msk [tilespmem:$0x70], $0xff;
	_ =	sdelay $0x4  }
0xb3: {  	v49 =	vshrl.u32 v3, $0x3  }
0xb4: {  	v4 =	vmul.u32 $0x30, v49  }
0xb5: {  	v3 =	vand.u32 $0x7, v3  }
0xb6: {  	v3 =	vor.u32 v3, v4  }
0xb7: {  	v3 =	vperm.xlane v3, v0;
	_ =	sdelay $0x1  }
0xb8: {  	v3 =	vadd.s32 v1, v3;
	_ =	sdelay $0x3  }
0xb9: {  	s12 =	simm.s32 $0x15180  }
0xba: {  	[tilespmem:s12], [sflag:$0x5] =	stream.indirect_vreg.gather [hbm4b:s1+s3], $0x80, v3, vm0, $0xb8;
	[tilespmem:$0x1B180] =	vst v63  }
0xbb: {  	s7 =	simm.s32 $0x15980  }
0xbc: {  	[tilespmem:s7], [sflag:$0x5] =	stream.indirect_vreg.gather [hbm4b:s5+s3], $0x80, v3, vm0, $0xb8;
	[tilespmem:$0x1B180] =	vst v63  }
0xbd: {  	s12 =	simm.s32 $0x16180  }
0xbe: {  	[tilespmem:s12], [sflag:$0x5] =	stream.indirect_vreg.gather [hbm4b:s6+s3], $0x80, v3, vm0, $0xb8;
	[tilespmem:$0x1B180] =	vst v63  }
0xbf: {  	v3 =	vld [tilespmem:$0x78];
	_ =	sdelay $0x4  }
0xc0: {  	v50 =	vshrl.u32 v3, $0x3  }
0xc1: {  	v4 =	vmul.u32 $0x30, v50  }
0xc2: {  	v3 =	vand.u32 $0x7, v3  }
0xc3: {  	v3 =	vor.u32 v3, v4  }
0xc4: {  	v4 =	vperm.xlane v3, v0;
	_ =	sdelay $0x1  }
0xc5: {  	v4 =	vadd.s32 v1, v4;
	_ =	sdelay $0x3  }
0xc6: {  	v3 =	vperm.xlane v3, v2  }
0xc7: {  	[tilespmem:s4], [sflag:$0x6] =	stream.indirect_vreg.gather [hbm4b:s1+s3], $0x80, v4, vm0, $0xb8;
	[tilespmem:$0x1B180] =	vst v63  }
0xc8: {  	s7 =	simm.s32 $0x17180;
	v3 =	vadd.s32 v1, v3  }
0xc9: {  	[tilespmem:s7], [sflag:$0x6] =	stream.indirect_vreg.gather [hbm4b:s5+s3], $0x80, v4, vm0, $0xb8;
	[tilespmem:$0x1B180] =	vst v63  }
0xca: {  	s12 =	simm.s32 $0x17980  }
0xcb: {  	[tilespmem:s12], [sflag:$0x6] =	stream.indirect_vreg.gather [hbm4b:s6+s3], $0x80, v4, vm0, $0xb8;
	[tilespmem:$0x1B180] =	vst v63  }
0xcc: {  	s7 =	simm.s32 $0x18180  }
0xcd: {  	[tilespmem:s7], [sflag:$0x6] =	stream.indirect_vreg.gather [hbm4b:s1+s3], $0x80, v3, vm0, $0xb8;
	[tilespmem:$0x1B180] =	vst v63  }
0xce: {  	s12 =	simm.s32 $0x18980  }
0xcf: {  	[tilespmem:s12], [sflag:$0x6] =	stream.indirect_vreg.gather [hbm4b:s5+s3], $0x80, v3, vm0, $0xb8;
	[tilespmem:$0x1B180] =	vst v63  }
0xd0: {  	s7 =	simm.s32 $0x19180  }
0xd1: {  	[tilespmem:s7], [sflag:$0x6] =	stream.indirect_vreg.gather [hbm4b:s6+s3], $0x80, v3, vm0, $0xb8;
	[tilespmem:$0x1B180] =	vst v63  }
0xd2: {  	v3 =	vld.msk [tilespmem:$0x88], $0xff;
	_ =	sdelay $0x4  }
0xd3: {  	v51 =	vshrl.u32 v3, $0x3  }
0xd4: {  	v4 =	vmul.u32 $0x30, v51  }
0xd5: {  	v3 =	vand.u32 $0x7, v3  }
0xd6: {  	v3 =	vor.u32 v3, v4  }
0xd7: {  	v3 =	vperm.xlane v3, v0;
	_ =	sdelay $0x1  }
0xd8: {  	v3 =	vadd.s32 v1, v3;
	_ =	sdelay $0x3  }
0xd9: {  	s12 =	simm.s32 $0x19980  }
0xda: {  	[tilespmem:s12], [sflag:$0x6] =	stream.indirect_vreg.gather [hbm4b:s1+s3], $0x80, v3, vm0, $0xb8;
	[tilespmem:$0x1B180] =	vst v63  }
0xdb: {  	s7 =	simm.s32 $0x1A180  }
0xdc: {  	[tilespmem:s7], [sflag:$0x6] =	stream.indirect_vreg.gather [hbm4b:s5+s3], $0x80, v3, vm0, $0xb8;
	[tilespmem:$0x1B180] =	vst v63  }
0xdd: {  	s0 =	simm.s32 $0x1;
	s12 =	simm.s32 $0x1A980  }
0xde: {  	[tilespmem:s12], [sflag:$0x6] =	stream.indirect_vreg.gather [hbm4b:s6+s3], $0x80, v3, vm0, $0xb8;
	[tilespmem:$0x1B180] =	vst v63  }
0xdf: {  	_ =	swait.ge [sflag:s0], $0x4800  }
0xe0: {  	[sflag:s0] =	ssyncset.done $0x0  }
0xe1: {  	s7 =	simm.s32 $0x180;
	s12 =	rddreg [dreg:$0x10];
	[sflag:s0] =	ssyncadd.s32 $0xFFFFB800  }
0xe2: {  	[hbm4b:s12+s3] =	stream.linear.scatter [tilespmem:s7], [sflag:$0x7], $0x4800, $0x38;
	[tilespmem:$0x1B180] =	vst v63  }
0xe3: {  	_ =	swait.ge [sflag:s2], $0x4800  }
0xe4: {  	[sflag:s2] =	ssyncset.done $0x0  }
0xe5: {  	[sflag:s2] =	ssyncadd.s32 $0xFFFFB800  }
0xe6: {  	v3 =	vld [tilespmem:$0x90];
	_ =	sdelay $0x4  }
0xe7: {  	v52 =	vshrl.u32 v3, $0x3  }
0xe8: {  	v4 =	vmul.u32 $0x30, v52  }
0xe9: {  	v3 =	vand.u32 $0x7, v3  }
0xea: {  	v3 =	vor.u32 v3, v4  }
0xeb: {  	v4 =	vperm.xlane v3, v0;
	_ =	sdelay $0x1  }
0xec: {  	v4 =	vadd.s32 v1, v4;
	_ =	sdelay $0x3  }
0xed: {  	v3 =	vperm.xlane v3, v2  }
0xee: {  	[tilespmem:s7], [sflag:$0x1] =	stream.indirect_vreg.gather [hbm4b:s1+s3], $0x80, v4, vm0, $0xb8;
	[tilespmem:$0x1B180] =	vst v63  }
0xef: {  	v3 =	vadd.s32 v1, v3  }
0xf0: {  	[tilespmem:s14], [sflag:$0x1] =	stream.indirect_vreg.gather [hbm4b:s5+s3], $0x80, v4, vm0, $0xb8;
	[tilespmem:$0x1B180] =	vst v63  }
0xf1: {  	_ = 	snop  }
0xf2: {  	[tilespmem:s15], [sflag:$0x1] =	stream.indirect_vreg.gather [hbm4b:s6+s3], $0x80, v4, vm0, $0xb8;
	[tilespmem:$0x1B180] =	vst v63  }
0xf3: {  	_ = 	snop  }
0xf4: {  	[tilespmem:s16], [sflag:$0x1] =	stream.indirect_vreg.gather [hbm4b:s1+s3], $0x80, v3, vm0, $0xb8;
	[tilespmem:$0x1B180] =	vst v63  }
0xf5: {  	_ = 	snop  }
0xf6: {  	[tilespmem:s17], [sflag:$0x1] =	stream.indirect_vreg.gather [hbm4b:s5+s3], $0x80, v3, vm0, $0xb8;
	[tilespmem:$0x1B180] =	vst v63  }
0xf7: {  	_ = 	snop  }
0xf8: {  	[tilespmem:s19], [sflag:$0x1] =	stream.indirect_vreg.gather [hbm4b:s6+s3], $0x80, v3, vm0, $0xb8;
	[tilespmem:$0x1B180] =	vst v63  }
0xf9: {  	v3 =	vld.msk [tilespmem:$0xA0], $0xff;
	_ =	sdelay $0x4  }
0xfa: {  	v53 =	vshrl.u32 v3, $0x3  }
0xfb: {  	v4 =	vmul.u32 $0x30, v53  }
0xfc: {  	v3 =	vand.u32 $0x7, v3  }
0xfd: {  	v3 =	vor.u32 v3, v4  }
0xfe: {  	v3 =	vperm.xlane v3, v0;
	_ =	sdelay $0x1  }
0xff: {  	v3 =	vadd.s32 v1, v3;
	_ =	sdelay $0x4  }
0x100: {  	[tilespmem:s20], [sflag:$0x1] =	stream.indirect_vreg.gather [hbm4b:s1+s3], $0x80, v3, vm0, $0xb8;
	[tilespmem:$0x1B180] =	vst v63  }
0x101: {  	_ = 	snop  }
0x102: {  	[tilespmem:s10], [sflag:$0x1] =	stream.indirect_vreg.gather [hbm4b:s5+s3], $0x80, v3, vm0, $0xb8;
	[tilespmem:$0x1B180] =	vst v63  }
0x103: {  	_ = 	snop  }
0x104: {  	[tilespmem:s9], [sflag:$0x1] =	stream.indirect_vreg.gather [hbm4b:s6+s3], $0x80, v3, vm0, $0xb8;
	[tilespmem:$0x1B180] =	vst v63  }
0x105: {  	s9 =	simm.s32 $0x2  }
0x106: {  	_ =	swait.ge [sflag:s9], $0x4800  }
0x107: {  	s16 =	simm.s32 $0x4980;
	[sflag:s9] =	ssyncset.done $0x0  }
0x108: {  	s10 =	simm.s32 $0x8;
	s15 =	rddreg [dreg:$0x5];
	[sflag:s9] =	ssyncadd.s32 $0xFFFFB800  }
0x109: {  	[hbm4b:s15+s3] =	stream.linear.scatter [tilespmem:s16], [sflag:$0x8], $0x4800, $0x38;
	[tilespmem:$0x1B180] =	vst v63  }
0x10a: {  	_ =	swait.ge [sflag:s10], $0x4800  }
0x10b: {  	[sflag:s10] =	ssyncset.done $0x0  }
0x10c: {  	[sflag:s10] =	ssyncadd.s32 $0xFFFFB800  }
0x10d: {  	v3 =	vld [tilespmem:$0xA8];
	_ =	sdelay $0x4  }
0x10e: {  	v54 =	vshrl.u32 v3, $0x3  }
0x10f: {  	v4 =	vmul.u32 $0x30, v54  }
0x110: {  	v3 =	vand.u32 $0x7, v3  }
0x111: {  	v3 =	vor.u32 v3, v4  }
0x112: {  	v4 =	vperm.xlane v3, v0;
	_ =	sdelay $0x1  }
0x113: {  	v4 =	vadd.s32 v1, v4;
	_ =	sdelay $0x3  }
0x114: {  	v3 =	vperm.xlane v3, v2  }
0x115: {  	[tilespmem:s16], [sflag:$0x2] =	stream.indirect_vreg.gather [hbm4b:s1+s3], $0x80, v4, vm0, $0xb8;
	[tilespmem:$0x1B180] =	vst v63  }
0x116: {  	v3 =	vadd.s32 v1, v3  }
0x117: {  	[tilespmem:s13], [sflag:$0x2] =	stream.indirect_vreg.gather [hbm4b:s5+s3], $0x80, v4, vm0, $0xb8;
	[tilespmem:$0x1B180] =	vst v63  }
0x118: {  	_ = 	snop  }
0x119: {  	[tilespmem:s23], [sflag:$0x2] =	stream.indirect_vreg.gather [hbm4b:s6+s3], $0x80, v4, vm0, $0xb8;
	[tilespmem:$0x1B180] =	vst v63  }
0x11a: {  	_ = 	snop  }
0x11b: {  	[tilespmem:s25], [sflag:$0x2] =	stream.indirect_vreg.gather [hbm4b:s1+s3], $0x80, v3, vm0, $0xb8;
	[tilespmem:$0x1B180] =	vst v63  }
0x11c: {  	_ = 	snop  }
0x11d: {  	[tilespmem:s21], [sflag:$0x2] =	stream.indirect_vreg.gather [hbm4b:s5+s3], $0x80, v3, vm0, $0xb8;
	[tilespmem:$0x1B180] =	vst v63  }
0x11e: {  	_ = 	snop  }
0x11f: {  	[tilespmem:s26], [sflag:$0x2] =	stream.indirect_vreg.gather [hbm4b:s6+s3], $0x80, v3, vm0, $0xb8;
	[tilespmem:$0x1B180] =	vst v63  }
0x120: {  	v3 =	vld.msk [tilespmem:$0xB8], $0xff;
	_ =	sdelay $0x4  }
0x121: {  	v55 =	vshrl.u32 v3, $0x3  }
0x122: {  	v4 =	vmul.u32 $0x30, v55  }
0x123: {  	v3 =	vand.u32 $0x7, v3  }
0x124: {  	v3 =	vor.u32 v3, v4  }
0x125: {  	v3 =	vperm.xlane v3, v0;
	_ =	sdelay $0x1  }
0x126: {  	v3 =	vadd.s32 v1, v3;
	_ =	sdelay $0x4  }
0x127: {  	[tilespmem:s22], [sflag:$0x2] =	stream.indirect_vreg.gather [hbm4b:s1+s3], $0x80, v3, vm0, $0xb8;
	[tilespmem:$0x1B180] =	vst v63  }
0x128: {  	_ = 	snop  }
0x129: {  	[tilespmem:s24], [sflag:$0x2] =	stream.indirect_vreg.gather [hbm4b:s5+s3], $0x80, v3, vm0, $0xb8;
	[tilespmem:$0x1B180] =	vst v63  }
0x12a: {  	s13 =	simm.s32 $0x3  }
0x12b: {  	[tilespmem:s18], [sflag:$0x2] =	stream.indirect_vreg.gather [hbm4b:s6+s3], $0x80, v3, vm0, $0xb8;
	[tilespmem:$0x1B180] =	vst v63  }
0x12c: {  	_ =	swait.ge [sflag:s13], $0x4800  }
0x12d: {  	[sflag:s13] =	ssyncset.done $0x0  }
0x12e: {  	s14 =	simm.s32 $0x9;
	s17 =	rddreg [dreg:$0x6];
	[sflag:s13] =	ssyncadd.s32 $0xFFFFB800  }
0x12f: {  	[hbm4b:s17+s3] =	stream.linear.scatter [tilespmem:s28], [sflag:$0x9], $0x4800, $0x38;
	[tilespmem:$0x1B180] =	vst v63  }
0x130: {  	_ =	swait.ge [sflag:s14], $0x4800  }
0x131: {  	[sflag:s14] =	ssyncset.done $0x0  }
0x132: {  	[sflag:s14] =	ssyncadd.s32 $0xFFFFB800  }
0x133: {  	v3 =	vld [tilespmem:$0xC0];
	_ =	sdelay $0x4  }
0x134: {  	v56 =	vshrl.u32 v3, $0x3  }
0x135: {  	v4 =	vmul.u32 $0x30, v56  }
0x136: {  	v3 =	vand.u32 $0x7, v3  }
0x137: {  	v3 =	vor.u32 v3, v4  }
0x138: {  	v4 =	vperm.xlane v3, v0;
	_ =	sdelay $0x1  }
0x139: {  	v4 =	vadd.s32 v1, v4;
	_ =	sdelay $0x3  }
0x13a: {  	v3 =	vperm.xlane v3, v2  }
0x13b: {  	[tilespmem:s28], [sflag:$0x3] =	stream.indirect_vreg.gather [hbm4b:s1+s3], $0x80, v4, vm0, $0xb8;
	[tilespmem:$0x1B180] =	vst v63  }
0x13c: {  	s18 =	simm.s32 $0x9980;
	v3 =	vadd.s32 v1, v3  }
0x13d: {  	[tilespmem:s18], [sflag:$0x3] =	stream.indirect_vreg.gather [hbm4b:s5+s3], $0x80, v4, vm0, $0xb8;
	[tilespmem:$0x1B180] =	vst v63  }
0x13e: {  	s19 =	simm.s32 $0xA180  }
0x13f: {  	[tilespmem:s19], [sflag:$0x3] =	stream.indirect_vreg.gather [hbm4b:s6+s3], $0x80, v4, vm0, $0xb8;
	[tilespmem:$0x1B180] =	vst v63  }
0x140: {  	_ = 	snop  }
0x141: {  	[tilespmem:s30], [sflag:$0x3] =	stream.indirect_vreg.gather [hbm4b:s1+s3], $0x80, v3, vm0, $0xb8;
	[tilespmem:$0x1B180] =	vst v63  }
0x142: {  	_ = 	snop  }
0x143: {  	[tilespmem:s31], [sflag:$0x3] =	stream.indirect_vreg.gather [hbm4b:s5+s3], $0x80, v3, vm0, $0xb8;
	[tilespmem:$0x1B180] =	vst v63  }
0x144: {  	s20 =	simm.s32 $0xB980  }
0x145: {  	[tilespmem:s20], [sflag:$0x3] =	stream.indirect_vreg.gather [hbm4b:s6+s3], $0x80, v3, vm0, $0xb8;
	[tilespmem:$0x1B180] =	vst v63  }
0x146: {  	v3 =	vld.msk [tilespmem:$0xD0], $0xff;
	_ =	sdelay $0x4  }
0x147: {  	v57 =	vshrl.u32 v3, $0x3  }
0x148: {  	v4 =	vmul.u32 $0x30, v57  }
0x149: {  	v3 =	vand.u32 $0x7, v3  }
0x14a: {  	v3 =	vor.u32 v3, v4  }
0x14b: {  	v3 =	vperm.xlane v3, v0;
	_ =	sdelay $0x1  }
0x14c: {  	v3 =	vadd.s32 v1, v3;
	_ =	sdelay $0x3  }
0x14d: {  	s15 =	simm.s32 $0xC180  }
0x14e: {  	[tilespmem:s15], [sflag:$0x3] =	stream.indirect_vreg.gather [hbm4b:s1+s3], $0x80, v3, vm0, $0xb8;
	[tilespmem:$0x1B180] =	vst v63  }
0x14f: {  	s16 =	simm.s32 $0xC980  }
0x150: {  	[tilespmem:s16], [sflag:$0x3] =	stream.indirect_vreg.gather [hbm4b:s5+s3], $0x80, v3, vm0, $0xb8;
	[tilespmem:$0x1B180] =	vst v63  }
0x151: {  	s17 =	simm.s32 $0xD180;
	s15 =	simm.s32 $0x4  }
0x152: {  	[tilespmem:s17], [sflag:$0x3] =	stream.indirect_vreg.gather [hbm4b:s6+s3], $0x80, v3, vm0, $0xb8;
	[tilespmem:$0x1B180] =	vst v63  }
0x153: {  	_ =	swait.ge [sflag:s15], $0x4800  }
0x154: {  	[sflag:s15] =	ssyncset.done $0x0  }
0x155: {  	s16 =	simm.s32 $0xA;
	s18 =	rddreg [dreg:$0x7];
	[sflag:s15] =	ssyncadd.s32 $0xFFFFB800  }
0x156: {  	[hbm4b:s18+s3] =	stream.linear.scatter [tilespmem:s11], [sflag:$0xA], $0x4800, $0x38;
	[tilespmem:$0x1B180] =	vst v63  }
0x157: {  	_ =	swait.ge [sflag:s16], $0x4800  }
0x158: {  	[sflag:s16] =	ssyncset.done $0x0  }
0x159: {  	[sflag:s16] =	ssyncadd.s32 $0xFFFFB800  }
0x15a: {  	v3 =	vld [tilespmem:$0xD8];
	_ =	sdelay $0x4  }
0x15b: {  	v58 =	vshrl.u32 v3, $0x3  }
0x15c: {  	v4 =	vmul.u32 $0x30, v58  }
0x15d: {  	v3 =	vand.u32 $0x7, v3  }
0x15e: {  	v3 =	vor.u32 v3, v4  }
0x15f: {  	v4 =	vperm.xlane v3, v0;
	_ =	sdelay $0x1  }
0x160: {  	v4 =	vadd.s32 v1, v4;
	_ =	sdelay $0x3  }
0x161: {  	v3 =	vperm.xlane v3, v2  }
0x162: {  	[tilespmem:s11], [sflag:$0x4] =	stream.indirect_vreg.gather [hbm4b:s1+s3], $0x80, v4, vm0, $0xb8;
	[tilespmem:$0x1B180] =	vst v63  }
0x163: {  	s19 =	simm.s32 $0xE180;
	v3 =	vadd.s32 v1, v3  }
0x164: {  	[tilespmem:s19], [sflag:$0x4] =	stream.indirect_vreg.gather [hbm4b:s5+s3], $0x80, v4, vm0, $0xb8;
	[tilespmem:$0x1B180] =	vst v63  }
0x165: {  	s20 =	simm.s32 $0xE980  }
0x166: {  	[tilespmem:s20], [sflag:$0x4] =	stream.indirect_vreg.gather [hbm4b:s6+s3], $0x80, v4, vm0, $0xb8;
	[tilespmem:$0x1B180] =	vst v63  }
0x167: {  	s17 =	simm.s32 $0xF180  }
0x168: {  	[tilespmem:s17], [sflag:$0x4] =	stream.indirect_vreg.gather [hbm4b:s1+s3], $0x80, v3, vm0, $0xb8;
	[tilespmem:$0x1B180] =	vst v63  }
0x169: {  	s18 =	simm.s32 $0xF980  }
0x16a: {  	[tilespmem:s18], [sflag:$0x4] =	stream.indirect_vreg.gather [hbm4b:s5+s3], $0x80, v3, vm0, $0xb8;
	[tilespmem:$0x1B180] =	vst v63  }
0x16b: {  	s19 =	simm.s32 $0x10180  }
0x16c: {  	[tilespmem:s19], [sflag:$0x4] =	stream.indirect_vreg.gather [hbm4b:s6+s3], $0x80, v3, vm0, $0xb8;
	[tilespmem:$0x1B180] =	vst v63  }
0x16d: {  	v3 =	vld.msk [tilespmem:$0xE8], $0xff;
	_ =	sdelay $0x4  }
0x16e: {  	v59 =	vshrl.u32 v3, $0x3  }
0x16f: {  	v4 =	vmul.u32 $0x30, v59  }
0x170: {  	v3 =	vand.u32 $0x7, v3  }
0x171: {  	v3 =	vor.u32 v3, v4  }
0x172: {  	v3 =	vperm.xlane v3, v0;
	_ =	sdelay $0x1  }
0x173: {  	v3 =	vadd.s32 v1, v3;
	_ =	sdelay $0x3  }
0x174: {  	s20 =	simm.s32 $0x10980  }
0x175: {  	[tilespmem:s20], [sflag:$0x4] =	stream.indirect_vreg.gather [hbm4b:s1+s3], $0x80, v3, vm0, $0xb8;
	[tilespmem:$0x1B180] =	vst v63  }
0x176: {  	s17 =	simm.s32 $0x11180  }
0x177: {  	[tilespmem:s17], [sflag:$0x4] =	stream.indirect_vreg.gather [hbm4b:s5+s3], $0x80, v3, vm0, $0xb8;
	[tilespmem:$0x1B180] =	vst v63  }
0x178: {  	s18 =	simm.s32 $0x11980;
	s17 =	simm.s32 $0x5  }
0x179: {  	[tilespmem:s18], [sflag:$0x4] =	stream.indirect_vreg.gather [hbm4b:s6+s3], $0x80, v3, vm0, $0xb8;
	[tilespmem:$0x1B180] =	vst v63  }
0x17a: {  	_ =	swait.ge [sflag:s17], $0x4800  }
0x17b: {  	[sflag:s17] =	ssyncset.done $0x0  }
0x17c: {  	s18 =	simm.s32 $0xB;
	s19 =	rddreg [dreg:$0x8];
	[sflag:s17] =	ssyncadd.s32 $0xFFFFB800  }
0x17d: {  	[hbm4b:s19+s3] =	stream.linear.scatter [tilespmem:s8], [sflag:$0xB], $0x4800, $0x38;
	[tilespmem:$0x1B180] =	vst v63  }
0x17e: {  	_ =	swait.ge [sflag:s18], $0x4800  }
0x17f: {  	[sflag:s18] =	ssyncset.done $0x0  }
0x180: {  	[sflag:s18] =	ssyncadd.s32 $0xFFFFB800  }
0x181: {  	v3 =	vld [tilespmem:$0xF0];
	_ =	sdelay $0x4  }
0x182: {  	v60 =	vshrl.u32 v3, $0x3  }
0x183: {  	v4 =	vmul.u32 $0x30, v60  }
0x184: {  	v3 =	vand.u32 $0x7, v3  }
0x185: {  	v3 =	vor.u32 v3, v4  }
0x186: {  	v4 =	vperm.xlane v3, v0;
	_ =	sdelay $0x1  }
0x187: {  	v4 =	vadd.s32 v1, v4;
	_ =	sdelay $0x3  }
0x188: {  	v3 =	vperm.xlane v3, v2  }
0x189: {  	[tilespmem:s8], [sflag:$0x5] =	stream.indirect_vreg.gather [hbm4b:s1+s3], $0x80, v4, vm0, $0xb8;
	[tilespmem:$0x1B180] =	vst v63  }
0x18a: {  	s20 =	simm.s32 $0x12980;
	v3 =	vadd.s32 v1, v3  }
0x18b: {  	[tilespmem:s20], [sflag:$0x5] =	stream.indirect_vreg.gather [hbm4b:s5+s3], $0x80, v4, vm0, $0xb8;
	[tilespmem:$0x1B180] =	vst v63  }
0x18c: {  	s19 =	simm.s32 $0x13180  }
0x18d: {  	[tilespmem:s19], [sflag:$0x5] =	stream.indirect_vreg.gather [hbm4b:s6+s3], $0x80, v4, vm0, $0xb8;
	[tilespmem:$0x1B180] =	vst v63  }
0x18e: {  	s20 =	simm.s32 $0x13980  }
0x18f: {  	[tilespmem:s20], [sflag:$0x5] =	stream.indirect_vreg.gather [hbm4b:s1+s3], $0x80, v3, vm0, $0xb8;
	[tilespmem:$0x1B180] =	vst v63  }
0x190: {  	s19 =	simm.s32 $0x14180  }
0x191: {  	[tilespmem:s19], [sflag:$0x5] =	stream.indirect_vreg.gather [hbm4b:s5+s3], $0x80, v3, vm0, $0xb8;
	[tilespmem:$0x1B180] =	vst v63  }
0x192: {  	s20 =	simm.s32 $0x14980  }
0x193: {  	[tilespmem:s20], [sflag:$0x5] =	stream.indirect_vreg.gather [hbm4b:s6+s3], $0x80, v3, vm0, $0xb8;
	[tilespmem:$0x1B180] =	vst v63  }
0x194: {  	v3 =	vld.msk [tilespmem:$0x100], $0xff;
	_ =	sdelay $0x4  }
0x195: {  	v61 =	vshrl.u32 v3, $0x3  }
0x196: {  	v4 =	vmul.u32 $0x30, v61  }
0x197: {  	v3 =	vand.u32 $0x7, v3  }
0x198: {  	v3 =	vor.u32 v3, v4  }
0x199: {  	v3 =	vperm.xlane v3, v0;
	_ =	sdelay $0x1  }
0x19a: {  	v3 =	vadd.s32 v1, v3;
	_ =	sdelay $0x3  }
0x19b: {  	s19 =	simm.s32 $0x15180  }
0x19c: {  	[tilespmem:s19], [sflag:$0x5] =	stream.indirect_vreg.gather [hbm4b:s1+s3], $0x80, v3, vm0, $0xb8;
	[tilespmem:$0x1B180] =	vst v63  }
0x19d: {  	s20 =	simm.s32 $0x15980  }
0x19e: {  	[tilespmem:s20], [sflag:$0x5] =	stream.indirect_vreg.gather [hbm4b:s5+s3], $0x80, v3, vm0, $0xb8;
	[tilespmem:$0x1B180] =	vst v63  }
0x19f: {  	s19 =	simm.s32 $0x16180  }
0x1a0: {  	[tilespmem:s19], [sflag:$0x5] =	stream.indirect_vreg.gather [hbm4b:s6+s3], $0x80, v3, vm0, $0xb8;
	[tilespmem:$0x1B180] =	vst v63  }
0x1a1: {  	s19 =	simm.s32 $0x6  }
0x1a2: {  	_ =	swait.ge [sflag:s19], $0x4800  }
0x1a3: {  	[sflag:s19] =	ssyncset.done $0x0  }
0x1a4: {  	s20 =	rddreg [dreg:$0x9];
	[sflag:s19] =	ssyncadd.s32 $0xFFFFB800  }
0x1a5: {  	[hbm4b:s20+s3] =	stream.linear.scatter [tilespmem:s4], [sflag:$0xC], $0x4800, $0x38;
	[tilespmem:$0x1B180] =	vst v63  }
0x1a6: {  	s20 =	simm.s32 $0xC  }
0x1a7: {  	_ =	swait.ge [sflag:s20], $0x4800  }
0x1a8: {  	[sflag:s20] =	ssyncset.done $0x0  }
0x1a9: {  	[sflag:s20] =	ssyncadd.s32 $0xFFFFB800  }
0x1aa: {  	v3 =	vld [tilespmem:$0x108];
	_ =	sdelay $0x4  }
0x1ab: {  	v62 =	vshrl.u32 v3, $0x3  }
0x1ac: {  	v4 =	vmul.u32 $0x30, v62  }
0x1ad: {  	v3 =	vand.u32 $0x7, v3  }
0x1ae: {  	v3 =	vor.u32 v3, v4  }
0x1af: {  	v4 =	vperm.xlane v3, v0;
	_ =	sdelay $0x1  }
0x1b0: {  	v4 =	vadd.s32 v1, v4;
	_ =	sdelay $0x3  }
0x1b1: {  	v3 =	vperm.xlane v3, v2  }
0x1b2: {  	[tilespmem:s4], [sflag:$0x6] =	stream.indirect_vreg.gather [hbm4b:s1+s3], $0x80, v4, vm0, $0xb8;
	[tilespmem:$0x1B180] =	vst v63  }
0x1b3: {  	s12 =	simm.s32 $0x17180;
	v3 =	vadd.s32 v1, v3  }
0x1b4: {  	[tilespmem:s12], [sflag:$0x6] =	stream.indirect_vreg.gather [hbm4b:s5+s3], $0x80, v4, vm0, $0xb8;
	[tilespmem:$0x1B180] =	vst v63  }
0x1b5: {  	s12 =	simm.s32 $0x17980  }
0x1b6: {  	[tilespmem:s12], [sflag:$0x6] =	stream.indirect_vreg.gather [hbm4b:s6+s3], $0x80, v4, vm0, $0xb8;
	[tilespmem:$0x1B180] =	vst v63  }
0x1b7: {  	s12 =	simm.s32 $0x18180  }
0x1b8: {  	[tilespmem:s12], [sflag:$0x6] =	stream.indirect_vreg.gather [hbm4b:s1+s3], $0x80, v3, vm0, $0xb8;
	[tilespmem:$0x1B180] =	vst v63  }
0x1b9: {  	s12 =	simm.s32 $0x18980  }
0x1ba: {  	[tilespmem:s12], [sflag:$0x6] =	stream.indirect_vreg.gather [hbm4b:s5+s3], $0x80, v3, vm0, $0xb8;
	[tilespmem:$0x1B180] =	vst v63  }
0x1bb: {  	s12 =	simm.s32 $0x19180  }
0x1bc: {  	[tilespmem:s12], [sflag:$0x6] =	stream.indirect_vreg.gather [hbm4b:s6+s3], $0x80, v3, vm0, $0xb8;
	[tilespmem:$0x1B180] =	vst v63  }
0x1bd: {  	v3 =	vld.msk [tilespmem:$0x118], $0xff;
	_ =	sdelay $0x4  }
0x1be: {  	v63 =	vshrl.u32 v3, $0x3  }
0x1bf: {  	v4 =	vmul.u32 $0x30, v63  }
0x1c0: {  	v3 =	vand.u32 $0x7, v3  }
0x1c1: {  	v3 =	vor.u32 v3, v4  }
0x1c2: {  	v3 =	vperm.xlane v3, v0;
	_ =	sdelay $0x1  }
0x1c3: {  	v3 =	vadd.s32 v1, v3;
	_ =	sdelay $0x3  }
0x1c4: {  	s12 =	simm.s32 $0x19980  }
0x1c5: {  	[tilespmem:s12], [sflag:$0x6] =	stream.indirect_vreg.gather [hbm4b:s1+s3], $0x80, v3, vm0, $0xb8;
	[tilespmem:$0x1B180] =	vst v63  }
0x1c6: {  	s12 =	simm.s32 $0x1A180  }
0x1c7: {  	[tilespmem:s12], [sflag:$0x6] =	stream.indirect_vreg.gather [hbm4b:s5+s3], $0x80, v3, vm0, $0xb8;
	[tilespmem:$0x1B180] =	vst v63  }
0x1c8: {  	s12 =	simm.s32 $0x1A980  }
0x1c9: {  	[tilespmem:s12], [sflag:$0x6] =	stream.indirect_vreg.gather [hbm4b:s6+s3], $0x80, v3, vm0, $0xb8;
	[tilespmem:$0x1B180] =	vst v63  }
0x1ca: {  	_ =	swait.ge [sflag:s0], $0x4800  }
0x1cb: {  	[sflag:s0] =	ssyncset.done $0x0  }
0x1cc: {  	s12 =	rddreg [dreg:$0xa];
	[sflag:s0] =	ssyncadd.s32 $0xFFFFB800;
	s0 =	simm.s32 $0x180  }
0x1cd: {  	[hbm4b:s12+s3] =	stream.linear.scatter [tilespmem:s0], [sflag:$0x7], $0x4800, $0x38;
	[tilespmem:$0x1B180] =	vst v63  }
0x1ce: {  	_ =	swait.ge [sflag:s9], $0x4800  }
0x1cf: {  	[sflag:s9] =	ssyncset.done $0x0  }
0x1d0: {  	s7 =	simm.s32 $0x4980;
	s0 =	rddreg [dreg:$0xb];
	[sflag:s9] =	ssyncadd.s32 $0xFFFFB800  }
0x1d1: {  	[hbm4b:s0+s3] =	stream.linear.scatter [tilespmem:s7], [sflag:$0x8], $0x4800, $0x38;
	[tilespmem:$0x1B180] =	vst v63  }
0x1d2: {  	_ =	swait.ge [sflag:s13], $0x4800  }
0x1d3: {  	[sflag:s13] =	ssyncset.done $0x0  }
0x1d4: {  	s9 =	rddreg [dreg:$0xc];
	[sflag:s13] =	ssyncadd.s32 $0xFFFFB800  }
0x1d5: {  	[hbm4b:s9+s3] =	stream.linear.scatter [tilespmem:s28], [sflag:$0x9], $0x4800, $0x38;
	[tilespmem:$0x1B180] =	vst v63  }
0x1d6: {  	_ =	swait.ge [sflag:s15], $0x4800  }
0x1d7: {  	[sflag:s15] =	ssyncset.done $0x0  }
0x1d8: {  	s13 =	rddreg [dreg:$0xd];
	[sflag:s15] =	ssyncadd.s32 $0xFFFFB800  }
0x1d9: {  	[hbm4b:s13+s3] =	stream.linear.scatter [tilespmem:s11], [sflag:$0xA], $0x4800, $0x38;
	[tilespmem:$0x1B180] =	vst v63  }
0x1da: {  	_ =	swait.ge [sflag:s17], $0x4800  }
0x1db: {  	[sflag:s17] =	ssyncset.done $0x0  }
0x1dc: {  	s15 =	rddreg [dreg:$0xe];
	[sflag:s17] =	ssyncadd.s32 $0xFFFFB800  }
0x1dd: {  	[hbm4b:s15+s3] =	stream.linear.scatter [tilespmem:s8], [sflag:$0xB], $0x4800, $0x38;
	[tilespmem:$0x1B180] =	vst v63  }
0x1de: {  	_ =	swait.ge [sflag:s19], $0x4800  }
0x1df: {  	[sflag:s19] =	ssyncset.done $0x0  }
0x1e0: {  	s17 =	rddreg [dreg:$0xf];
	[sflag:s19] =	ssyncadd.s32 $0xFFFFB800  }
0x1e1: {  	[hbm4b:s17+s3] =	stream.linear.scatter [tilespmem:s4], [sflag:$0xC], $0x4800, $0x38;
	[tilespmem:$0x1B180] =	vst v63  }
0x1e2: {  	_ =	swait.ge [sflag:s2], $0x4800  }
0x1e3: {  	[sflag:s2] =	ssyncset.done $0x0  }
0x1e4: {  	[sflag:s2] =	ssyncadd.s32 $0xFFFFB800  }
0x1e5: {  	_ =	swait.ge [sflag:s10], $0x4800  }
0x1e6: {  	[sflag:s10] =	ssyncset.done $0x0  }
0x1e7: {  	[sflag:s10] =	ssyncadd.s32 $0xFFFFB800  }
0x1e8: {  	_ =	swait.ge [sflag:s14], $0x4800  }
0x1e9: {  	[sflag:s14] =	ssyncset.done $0x0  }
0x1ea: {  	[sflag:s14] =	ssyncadd.s32 $0xFFFFB800  }
0x1eb: {  	_ =	swait.ge [sflag:s16], $0x4800  }
0x1ec: {  	[sflag:s16] =	ssyncset.done $0x0  }
0x1ed: {  	[sflag:s16] =	ssyncadd.s32 $0xFFFFB800  }
0x1ee: {  	p0 =	sne.s32 s29, $0x1;
	_ =	swait.ge [sflag:s18], $0x4800  }
.Ltmp0:
0x1ef: {  	[sflag:s18] =	ssyncset.done $0x0;
	(pc) =	sbr.rel @p0 .LBB2_1-.Ltmp0, $4  }
0x1f0: {  	[sflag:s18] =	ssyncadd.s32 $0xFFFFB800  }
0x1f1: {  	_ =	swait.ge [sflag:s20], $0x4800  }
0x1f2: {  	[sflag:s20] =	ssyncset.done $0x0  }
0x1f3: {  	s29 =	sadd.s32 $0xFFFFFFFF, s29;
	[sflag:s20] =	ssyncadd.s32 $0xFFFFB800  }
0x1f4: {  	_ =	sfence.sel $0x180000  }
0x1f5: {  	[bflag:$0x0] =	sbarrier.arrive $0xFFFF  }
0x1f6: {  	_ =	strace $0x90000047  }
0x1f7: {  	s0 =	stileid.u32;
	[bflag:$0x2] =	sbarrier.arrive $0xFFFF  }
0x1f8: {  	p0 =	sne.s32 s0, $0x0;
	s0 =	rddreg [dreg:$0x3]  }
0x1f9: {  	s0 =	sadd.s32 @!p0 $0x100000, s0  }
0x1fa: {  	[sflag:s0] =	ssyncadd.tile.s32 @!p0 $0x1;
	_ =	shalt  }
.Lfunc_end2:
_tile_overlayer_lowered:
.L_overlay_start_2:
0x1fb: {  	(tag) =	ssettag $0x2  }
0x1fc: {  	s0 =	rddreg [dreg:$0x0];
	s2 =	stileid.u32  }
0x1fd: {  	s1 =	rddreg [dreg:$0x1];
	p0 =	sne.s32 s2, $0x0  }
0x1fe: {  	s3 =	rddreg [dreg:$0x2];
	[bflag:$0x3] =	sbarrier.arrive $0xFFFF;
	s2 =	simm.s32 @!p0 $0x1C0D  }
0x1ff: {  	[timem:s3], [sflag:s2] =	dma.local @!p0 [hbm:s0], s1  }
0x200: {  	s0 =	simm.s32 @!p0 $0xD  }
0x201: {  	_ =	swait.ge @!p0 [sflag:s0], s1  }
0x202: {  	s1 =	ssub.s32 @!p0 $0x0, s1;
	[sflag:s0] =	ssyncset.done @!p0 $0x0  }
0x203: {  	[sflag:s0] =	ssyncadd.s32 @!p0 s1  }
0x204: {  	[bflag:$0x3] =	sbarrier.arrive $0xFFFF  }
0x205: {  	_ =	shalt  }

</sc_bundles>
